<compile_context>
chip_gen: v7x
topology: tpu7x:2x2x1
jax: 0.10.2.dev20260603
libtpu: 0.0.44.dev20260713+nightly
codegen_flags: <defaults>
</compile_context>

<pallas_src>
import functools

import jax
import jax.numpy as jnp
from jax import lax
from jax.experimental import pallas as pl
from jax.experimental.pallas import tpu as pltpu
from jax.experimental.pallas import tpu_sc as plsc

B = 16384
D = 32
N_BUCKETS = 2000
NB_PAD = 2048
NW = 32
ROWS = B // NW
CHUNK = 128
NCHUNK = ROWS // CHUNK
L = 16


def _body(uid_hbm, ts_hbm, age_hbm, utab_hbm, ttab_hbm, bounds_hbm,
          stats_hbm, out_hbm,
          uid_v, ts_v, age_v, bidx_v, bounds_v, stats_v,
          urows_v, trows_v, agecol_v, sem, gsem, osem):
    wid = lax.axis_index("s") * 2 + lax.axis_index("c")
    base = wid * ROWS

    stage = [
        pltpu.async_copy(uid_hbm.at[pl.ds(base, ROWS)], uid_v, sem),
        pltpu.async_copy(ts_hbm.at[pl.ds(base, ROWS)], ts_v, sem),
        pltpu.async_copy(age_hbm.at[pl.ds(base, ROWS)], age_v, sem),
        pltpu.async_copy(bounds_hbm, bounds_v, sem),
        pltpu.async_copy(stats_hbm, stats_v, sem),
    ]
    for c in stage:
        c.wait()

    ucopies = []
    for j in range(NCHUNK):
        ucopies.append(pltpu.async_copy(
            utab_hbm.at[uid_v.at[pl.ds(j * CHUNK, CHUNK)]],
            urows_v.at[pl.ds(j * CHUNK, CHUNK)], gsem))

    mean = stats_v[pl.ds(0, L)]
    std = stats_v[pl.ds(L, L)]
    lanes = lax.iota(jnp.int32, L)
    zcol = jnp.zeros((L,), jnp.int32)

    def bucketize(i, _):
        t = ts_v[pl.ds(i * L, L)].astype(jnp.float32)
        pos = jnp.zeros((L,), jnp.int32)
        step = NB_PAD // 2
        while step >= 1:
            probe = plsc.load_gather(bounds_v, [pos + (step - 1)])
            pos = jnp.where(probe <= t, pos + step, pos)
            step //= 2
        bidx_v[pl.ds(i * L, L)] = pos
        a = age_v[pl.ds(i * L, L)]
        plsc.store_scatter(agecol_v, [i * L + lanes, zcol], (a - mean) / std)
        return 0

    tcopies = []
    for blk in range(NCHUNK):
        lax.fori_loop(blk * (CHUNK // L), (blk + 1) * (CHUNK // L),
                      bucketize, 0, unroll=2)
        tcopies.append(pltpu.async_copy(
            ttab_hbm.at[bidx_v.at[pl.ds(blk * CHUNK, CHUNK)]],
            trows_v.at[pl.ds(blk * CHUNK, CHUNK)], gsem))

    ow = [pltpu.async_copy(agecol_v,
                           out_hbm.at[pl.ds(base, ROWS), pl.ds(2 * D, 1)],
                           osem)]
    for c in ucopies:
        c.wait()
    ow.append(pltpu.async_copy(
        urows_v, out_hbm.at[pl.ds(base, ROWS), pl.ds(0, D)], osem))
    for c in tcopies:
        c.wait()
    ow.append(pltpu.async_copy(
        trows_v, out_hbm.at[pl.ds(base, ROWS), pl.ds(D, D)], osem))
    for c in ow:
        c.wait()


@jax.jit
def _run(user_id, timestamp, bucketized_user_age, user_table, ts_table,
         bounds_pad, stats):
    mesh = plsc.VectorSubcoreMesh(core_axis_name="c", subcore_axis_name="s")
    kern = pl.kernel(
        _body,
        out_type=jax.ShapeDtypeStruct((B, 2 * D + 1), jnp.float32),
        mesh=mesh,
        scratch_types=[
            pltpu.VMEM((ROWS,), jnp.int32),
            pltpu.VMEM((ROWS,), jnp.int32),
            pltpu.VMEM((ROWS,), jnp.float32),
            pltpu.VMEM((ROWS,), jnp.int32),
            pltpu.VMEM((NB_PAD,), jnp.float32),
            pltpu.VMEM((2 * L,), jnp.float32),
            pltpu.VMEM((ROWS, D), jnp.float32),
            pltpu.VMEM((ROWS, D), jnp.float32),
            pltpu.VMEM((ROWS, 1), jnp.float32),
            pltpu.SemaphoreType.DMA,
            pltpu.SemaphoreType.DMA,
            pltpu.SemaphoreType.DMA,
        ],
        compiler_params=pltpu.CompilerParams(use_tc_tiling_on_sc=False,
                                             needs_layout_passes=False),
    )
    return kern(user_id, timestamp, bucketized_user_age, user_table,
                ts_table, bounds_pad, stats)


def kernel(user_id, timestamp, bucketized_user_age, user_table, ts_table,
           ts_boundaries, age_mean, age_std):
    uid = user_id.astype(jnp.int32)
    ts = timestamp.astype(jnp.int32)
    bounds_pad = jnp.concatenate(
        [ts_boundaries.astype(jnp.float32),
         jnp.full((NB_PAD - N_BUCKETS,), 3.0e38, jnp.float32)])
    stats = jnp.concatenate([
        jnp.full((L,), age_mean, jnp.float32),
        jnp.full((L,), age_std, jnp.float32)])
    return _run(uid, ts, bucketized_user_age.astype(jnp.float32),
                user_table.astype(jnp.float32), ts_table.astype(jnp.float32),
                bounds_pad, stats)

# --- scband reference (transcript-rebuilt; emitter-appended) ---
"""Pipeline reference for scband-user-model-4758823764741 (READ-ONLY COPY).

The authoritative reference and input builder live on the scoring server;
editing this copy changes nothing except your own understanding.
"""

import jax, jax.numpy as jnp
import numpy as np

B = 16384
VOCAB = 100000
D = 32
N_BUCKETS = 2000

def setup_inputs(seed: int = 0) -> dict:
    key = jax.random.key(seed)
    k1, k2, k3, k4, k5, k6, k7 = jax.random.split(key, 7)
    user_id = jax.random.randint(k1, (B,), 0, VOCAB, dtype=jnp.int64)
    timestamp = jax.random.randint(k2, (B,), 0, 1000000, dtype=jnp.int64)
    bucketized_user_age = jax.random.uniform(k3, (B,), dtype=jnp.float32)
    # Learned parameters
    user_table = jax.random.normal(k4, (VOCAB + 1, D), dtype=jnp.float32) * 0.05
    ts_table = jax.random.normal(k5, (N_BUCKETS + 1, D), dtype=jnp.float32) * 0.05
    # Discretization bin boundaries (sorted), spanning the timestamp range
    ts_boundaries = jnp.sort(jax.random.uniform(k6, (N_BUCKETS,), dtype=jnp.float32) * 1.0e6)
    # Normalization stats adapted on a held-out age sample (mimics layer.adapt)
    adapt_ages = jax.random.uniform(k7, (B,), dtype=jnp.float32)
    age_mean = jnp.mean(adapt_ages)
    age_std = jnp.std(adapt_ages) + 1e-7
    return {
        "user_id": user_id,
        "timestamp": timestamp,
        "bucketized_user_age": bucketized_user_age,
        "user_table": user_table,
        "ts_table": ts_table,
        "ts_boundaries": ts_boundaries,
        "age_mean": age_mean,
        "age_std": age_std,
    }

def reference(user_id, timestamp, bucketized_user_age, user_table, ts_table, ts_boundaries, age_mean, age_std):
    # StringLookup + Embedding: ids are already integerized; gather rows
    user_emb = jnp.take(user_table, user_id, axis=0)
    # Discretization (tf Bucketize: index i s.t. boundaries[i-1] <= x < boundaries[i])
    buckets = jnp.searchsorted(ts_boundaries, timestamp.astype(jnp.float32), side="right")
    ts_emb = jnp.take(ts_table, buckets, axis=0)
    # Normalization(axis=None) + Reshape([1])
    age_norm = ((bucketized_user_age - age_mean) / age_std).reshape(-1, 1)
    return jnp.concatenate([user_emb, ts_emb, age_norm], axis=1)

if __name__ == "__main__":
    import jax
    _d = setup_inputs()
    print(jax.jit(kernel)(*tuple(_d.values())))

</pallas_src>

<mosaic_0001>
#map = affine_map<(d0, d1) -> (0)>
#map1 = affine_map<(d0, d1) -> (0, 0)>
module attributes {stable_mosaic.version = 14 : i64} {
  func.func @_body(%arg0: i32, %arg1: i32, %arg2: memref<16384xi32, #tpu.memory_space<hbm>>, %arg3: memref<16384xi32, #tpu.memory_space<hbm>>, %arg4: memref<16384xf32, #tpu.memory_space<hbm>>, %arg5: memref<100001x32xf32, #tpu.memory_space<hbm>>, %arg6: memref<2001x32xf32, #tpu.memory_space<hbm>>, %arg7: memref<2048xf32, #tpu.memory_space<hbm>>, %arg8: memref<32xf32, #tpu.memory_space<hbm>>, %arg9: memref<16384x65xf32, #tpu.memory_space<hbm>>, %arg10: memref<512xi32, #tpu.memory_space<vmem>>, %arg11: memref<512xi32, #tpu.memory_space<vmem>>, %arg12: memref<512xf32, #tpu.memory_space<vmem>>, %arg13: memref<512xi32, #tpu.memory_space<vmem>>, %arg14: memref<2048xf32, #tpu.memory_space<vmem>>, %arg15: memref<32xf32, #tpu.memory_space<vmem>>, %arg16: memref<512x32xf32, #tpu.memory_space<vmem>>, %arg17: memref<512x32xf32, #tpu.memory_space<vmem>>, %arg18: memref<512x1xf32, #tpu.memory_space<vmem>>, %arg19: memref<!tpu.dma_semaphore, #tpu.memory_space<semaphore_mem>>, %arg20: memref<!tpu.dma_semaphore, #tpu.memory_space<semaphore_mem>>, %arg21: memref<!tpu.dma_semaphore, #tpu.memory_space<semaphore_mem>>) attributes {dimension_semantics = [#tpu.dimension_semantics<core_parallel>, #tpu.dimension_semantics<subcore_parallel>], iteration_bounds = array<i64: 2, 16>, scalar_prefetch = 0 : i64, scratch_operands = 12 : i64, tpu.core_type = #tpu.core_type<sc_vector_subcore>, window_params = [{transform_indices = #map}, {transform_indices = #map}, {transform_indices = #map}, {transform_indices = #map1}, {transform_indices = #map1}, {transform_indices = #map}, {transform_indices = #map}, {transform_indices = #map1}]} {
    %mul3A = arith.constant 2 : i32
    %mul3A_0 = arith.muli %arg1, %mul3A : i32
    %add3A = arith.addi %mul3A_0, %arg0 : i32
    %mul3A_1 = arith.constant 512 : i32
    %mul3A_2 = arith.muli %add3A, %mul3A_1 : i32
    %dma_start3A = tpu.memref_slice %arg2[%mul3A_2] : memref<16384xi32, #tpu.memory_space<hbm>> -> memref<512xi32, #tpu.memory_space<hbm>>
    %dma_start3A_3 = tpu.memref_slice %arg2[%mul3A_2] : memref<16384xi32, #tpu.memory_space<hbm>> -> memref<512xi32, #tpu.memory_space<hbm>>
    tpu.enqueue_dma source(%dma_start3A_3 : memref<512xi32, #tpu.memory_space<hbm>>) target(%arg10 : memref<512xi32, #tpu.memory_space<vmem>>) target_semaphore(%arg19 : memref<!tpu.dma_semaphore, #tpu.memory_space<semaphore_mem>>)
    %dma_start3A_4 = tpu.memref_slice %arg3[%mul3A_2] : memref<16384xi32, #tpu.memory_space<hbm>> -> memref<512xi32, #tpu.memory_space<hbm>>
    %dma_start3A_5 = tpu.memref_slice %arg3[%mul3A_2] : memref<16384xi32, #tpu.memory_space<hbm>> -> memref<512xi32, #tpu.memory_space<hbm>>
    tpu.enqueue_dma source(%dma_start3A_5 : memref<512xi32, #tpu.memory_space<hbm>>) target(%arg11 : memref<512xi32, #tpu.memory_space<vmem>>) target_semaphore(%arg19 : memref<!tpu.dma_semaphore, #tpu.memory_space<semaphore_mem>>)
    %dma_start3A_6 = tpu.memref_slice %arg4[%mul3A_2] : memref<16384xf32, #tpu.memory_space<hbm>> -> memref<512xf32, #tpu.memory_space<hbm>>
    %dma_start3A_7 = tpu.memref_slice %arg4[%mul3A_2] : memref<16384xf32, #tpu.memory_space<hbm>> -> memref<512xf32, #tpu.memory_space<hbm>>
    tpu.enqueue_dma source(%dma_start3A_7 : memref<512xf32, #tpu.memory_space<hbm>>) target(%arg12 : memref<512xf32, #tpu.memory_space<vmem>>) target_semaphore(%arg19 : memref<!tpu.dma_semaphore, #tpu.memory_space<semaphore_mem>>)
    tpu.enqueue_dma source(%arg7 : memref<2048xf32, #tpu.memory_space<hbm>>) target(%arg14 : memref<2048xf32, #tpu.memory_space<vmem>>) target_semaphore(%arg19 : memref<!tpu.dma_semaphore, #tpu.memory_space<semaphore_mem>>)
    tpu.enqueue_dma source(%arg8 : memref<32xf32, #tpu.memory_space<hbm>>) target(%arg15 : memref<32xf32, #tpu.memory_space<vmem>>) target_semaphore(%arg19 : memref<!tpu.dma_semaphore, #tpu.memory_space<semaphore_mem>>)
    %dma_wait3A = tpu.memref_slice %arg2[%mul3A_2] : memref<16384xi32, #tpu.memory_space<hbm>> -> memref<512xi32, #tpu.memory_space<hbm>>
    %dma_wait3A_8 = tpu.memref_slice %arg2[%mul3A_2] : memref<16384xi32, #tpu.memory_space<hbm>> -> memref<512xi32, #tpu.memory_space<hbm>>
    tpu.wait_dma2 semaphore(%arg19 : memref<!tpu.dma_semaphore, #tpu.memory_space<semaphore_mem>>) src(%dma_wait3A_8 : memref<512xi32, #tpu.memory_space<hbm>>) dst(%arg10 : memref<512xi32, #tpu.memory_space<vmem>>)
    %dma_wait3A_9 = tpu.memref_slice %arg3[%mul3A_2] : memref<16384xi32, #tpu.memory_space<hbm>> -> memref<512xi32, #tpu.memory_space<hbm>>
    %dma_wait3A_10 = tpu.memref_slice %arg3[%mul3A_2] : memref<16384xi32, #tpu.memory_space<hbm>> -> memref<512xi32, #tpu.memory_space<hbm>>
    tpu.wait_dma2 semaphore(%arg19 : memref<!tpu.dma_semaphore, #tpu.memory_space<semaphore_mem>>) src(%dma_wait3A_10 : memref<512xi32, #tpu.memory_space<hbm>>) dst(%arg11 : memref<512xi32, #tpu.memory_space<vmem>>)
    %dma_wait3A_11 = tpu.memref_slice %arg4[%mul3A_2] : memref<16384xf32, #tpu.memory_space<hbm>> -> memref<512xf32, #tpu.memory_space<hbm>>
    %dma_wait3A_12 = tpu.memref_slice %arg4[%mul3A_2] : memref<16384xf32, #tpu.memory_space<hbm>> -> memref<512xf32, #tpu.memory_space<hbm>>
    tpu.wait_dma2 semaphore(%arg19 : memref<!tpu.dma_semaphore, #tpu.memory_space<semaphore_mem>>) src(%dma_wait3A_12 : memref<512xf32, #tpu.memory_space<hbm>>) dst(%arg12 : memref<512xf32, #tpu.memory_space<vmem>>)
    tpu.wait_dma2 semaphore(%arg19 : memref<!tpu.dma_semaphore, #tpu.memory_space<semaphore_mem>>) src(%arg7 : memref<2048xf32, #tpu.memory_space<hbm>>) dst(%arg14 : memref<2048xf32, #tpu.memory_space<vmem>>)
    tpu.wait_dma2 semaphore(%arg19 : memref<!tpu.dma_semaphore, #tpu.memory_space<semaphore_mem>>) src(%arg8 : memref<32xf32, #tpu.memory_space<hbm>>) dst(%arg15 : memref<32xf32, #tpu.memory_space<vmem>>)
    %dma_start3A_13 = arith.constant 0 : i32
    %dma_start3A_14 = arith.constant 0 : i32
    %dma_start3A_15 = tpu.memref_slice %arg16[%dma_start3A_13, %dma_start3A_14] : memref<512x32xf32, #tpu.memory_space<vmem>> -> memref<128x32xf32, #tpu.memory_space<vmem>>
    %dma_start3A_16 = arith.constant 0 : i32
    %dma_start3A_17 = tpu.memref_slice %arg10[%dma_start3A_16] : memref<512xi32, #tpu.memory_space<vmem>> -> memref<128xi32, #tpu.memory_space<vmem>>
    %dma_start3A_18 = arith.constant 0 : i32
    %dma_start3A_19 = arith.constant 0 : i32
    %dma_start3A_20 = tpu.memref_slice %arg5[%dma_start3A_18, %dma_start3A_19] : memref<100001x32xf32, #tpu.memory_space<hbm>> -> memref<100001x32xf32, #tpu.memory_space<hbm>>
    tpu.enqueue_indirect_dma source(%dma_start3A_20 : memref<100001x32xf32, #tpu.memory_space<hbm>>) target(%dma_start3A_15 : memref<128x32xf32, #tpu.memory_space<vmem>>) offsets(%dma_start3A_17 : memref<128xi32, #tpu.memory_space<vmem>>) semaphore(%arg20 : memref<!tpu.dma_semaphore, #tpu.memory_space<semaphore_mem>>)
    %dma_start3A_21 = arith.constant 128 : i32
    %dma_start3A_22 = arith.constant 0 : i32
    %dma_start3A_23 = tpu.memref_slice %arg16[%dma_start3A_21, %dma_start3A_22] : memref<512x32xf32, #tpu.memory_space<vmem>> -> memref<128x32xf32, #tpu.memory_space<vmem>>
    %dma_start3A_24 = arith.constant 128 : i32
    %dma_start3A_25 = tpu.memref_slice %arg10[%dma_start3A_24] : memref<512xi32, #tpu.memory_space<vmem>> -> memref<128xi32, #tpu.memory_space<vmem>>
    %dma_start3A_26 = arith.constant 0 : i32
    %dma_start3A_27 = arith.constant 0 : i32
    %dma_start3A_28 = tpu.memref_slice %arg5[%dma_start3A_26, %dma_start3A_27] : memref<100001x32xf32, #tpu.memory_space<hbm>> -> memref<100001x32xf32, #tpu.memory_space<hbm>>
    tpu.enqueue_indirect_dma source(%dma_start3A_28 : memref<100001x32xf32, #tpu.memory_space<hbm>>) target(%dma_start3A_23 : memref<128x32xf32, #tpu.memory_space<vmem>>) offsets(%dma_start3A_25 : memref<128xi32, #tpu.memory_space<vmem>>) semaphore(%arg20 : memref<!tpu.dma_semaphore, #tpu.memory_space<semaphore_mem>>)
    %dma_start3A_29 = arith.constant 256 : i32
    %dma_start3A_30 = arith.constant 0 : i32
    %dma_start3A_31 = tpu.memref_slice %arg16[%dma_start3A_29, %dma_start3A_30] : memref<512x32xf32, #tpu.memory_space<vmem>> -> memref<128x32xf32, #tpu.memory_space<vmem>>
    %dma_start3A_32 = arith.constant 256 : i32
    %dma_start3A_33 = tpu.memref_slice %arg10[%dma_start3A_32] : memref<512xi32, #tpu.memory_space<vmem>> -> memref<128xi32, #tpu.memory_space<vmem>>
    %dma_start3A_34 = arith.constant 0 : i32
    %dma_start3A_35 = arith.constant 0 : i32
    %dma_start3A_36 = tpu.memref_slice %arg5[%dma_start3A_34, %dma_start3A_35] : memref<100001x32xf32, #tpu.memory_space<hbm>> -> memref<100001x32xf32, #tpu.memory_space<hbm>>
    tpu.enqueue_indirect_dma source(%dma_start3A_36 : memref<100001x32xf32, #tpu.memory_space<hbm>>) target(%dma_start3A_31 : memref<128x32xf32, #tpu.memory_space<vmem>>) offsets(%dma_start3A_33 : memref<128xi32, #tpu.memory_space<vmem>>) semaphore(%arg20 : memref<!tpu.dma_semaphore, #tpu.memory_space<semaphore_mem>>)
    %dma_start3A_37 = arith.constant 384 : i32
    %dma_start3A_38 = arith.constant 0 : i32
    %dma_start3A_39 = tpu.memref_slice %arg16[%dma_start3A_37, %dma_start3A_38] : memref<512x32xf32, #tpu.memory_space<vmem>> -> memref<128x32xf32, #tpu.memory_space<vmem>>
    %dma_start3A_40 = arith.constant 384 : i32
    %dma_start3A_41 = tpu.memref_slice %arg10[%dma_start3A_40] : memref<512xi32, #tpu.memory_space<vmem>> -> memref<128xi32, #tpu.memory_space<vmem>>
    %dma_start3A_42 = arith.constant 0 : i32
    %dma_start3A_43 = arith.constant 0 : i32
    %dma_start3A_44 = tpu.memref_slice %arg5[%dma_start3A_42, %dma_start3A_43] : memref<100001x32xf32, #tpu.memory_space<hbm>> -> memref<100001x32xf32, #tpu.memory_space<hbm>>
    tpu.enqueue_indirect_dma source(%dma_start3A_44 : memref<100001x32xf32, #tpu.memory_space<hbm>>) target(%dma_start3A_39 : memref<128x32xf32, #tpu.memory_space<vmem>>) offsets(%dma_start3A_41 : memref<128xi32, #tpu.memory_space<vmem>>) semaphore(%arg20 : memref<!tpu.dma_semaphore, #tpu.memory_space<semaphore_mem>>)
    %get3A = arith.constant 0 : index
    %get3A_45 = tpu.vector_load %arg15[%get3A] {strides = array<i32>} : memref<32xf32, #tpu.memory_space<vmem>>, vector<16xf32>,
    %get3A_46 = arith.constant 16 : index
    %get3A_47 = tpu.vector_load %arg15[%get3A_46] {strides = array<i32>} : memref<32xf32, #tpu.memory_space<vmem>>, vector<16xf32>,
    %iota3A = tpu.iota {dimensions = array<i32: 0>} : vector<16xi32>
    %broadcast_in_dim3A = arith.constant 0 : i32
    %broadcast_in_dim3A_48 = vector.broadcast %broadcast_in_dim3A : i32 to vector<16xi32>
    %scan3A = arith.constant 0 : i32
    %scan3A_49 = arith.constant 0 : i32
    %scan3A_50 = arith.constant 8 : i32
    %scan3A_51 = arith.addi %scan3A_49, %scan3A_50 : i32
    %scan3A_52 = arith.constant 2 : i32
    %scan3A_53 = scf.for %scan3A_196 = %scan3A_49 to %scan3A_51 step %scan3A_52 iter_args(%scan3A_197 = %scan3A) -> (i32)  : i32 {
      %mul3A_198 = arith.constant 16 : i32
      %mul3A_199 = arith.muli %scan3A_196, %mul3A_198 : i32
      %get3A_200 = arith.index_cast %mul3A_199 : i32 to index
      %get3A_201 = tpu.vector_load %arg11[%get3A_200] {strides = array<i32>} : memref<512xi32, #tpu.memory_space<vmem>>, vector<16xi32>,
      %convert_element_type3A = arith.sitofp %get3A_201 : vector<16xi32> to vector<16xf32>
      %broadcast_in_dim3A_202 = arith.constant 0 : i32
      %broadcast_in_dim3A_203 = vector.broadcast %broadcast_in_dim3A_202 : i32 to vector<16xi32>
      %add3A_204 = arith.constant 1023 : i32
      %add3A_205 = vector.broadcast %add3A_204 : i32 to vector<16xi32>
      %add3A_206 = arith.addi %broadcast_in_dim3A_203, %add3A_205 : vector<16xi32>
      %gather3A = tpu.vector_load_idx %arg14[%add3A_206] : memref<2048xf32, #tpu.memory_space<vmem>>[vector<16xi32>], vector<16xf32>,
      %le3A = arith.cmpf ole, %gather3A, %convert_element_type3A : vector<16xf32>
      %add3A_207 = arith.constant 1024 : i32
      %add3A_208 = vector.broadcast %add3A_207 : i32 to vector<16xi32>
      %add3A_209 = arith.addi %broadcast_in_dim3A_203, %add3A_208 : vector<16xi32>
      %select_n3A = arith.select %le3A, %add3A_209, %broadcast_in_dim3A_203 : vector<16xi1>, vector<16xi32>
      %add3A_210 = arith.constant 511 : i32
      %add3A_211 = vector.broadcast %add3A_210 : i32 to vector<16xi32>
      %add3A_212 = arith.addi %select_n3A, %add3A_211 : vector<16xi32>
      %gather3A_213 = tpu.vector_load_idx %arg14[%add3A_212] : memref<2048xf32, #tpu.memory_space<vmem>>[vector<16xi32>], vector<16xf32>,
      %le3A_214 = arith.cmpf ole, %gather3A_213, %convert_element_type3A : vector<16xf32>
      %add3A_215 = arith.constant 512 : i32
      %add3A_216 = vector.broadcast %add3A_215 : i32 to vector<16xi32>
      %add3A_217 = arith.addi %select_n3A, %add3A_216 : vector<16xi32>
      %select_n3A_218 = arith.select %le3A_214, %add3A_217, %select_n3A : vector<16xi1>, vector<16xi32>
      %add3A_219 = arith.constant 255 : i32
      %add3A_220 = vector.broadcast %add3A_219 : i32 to vector<16xi32>
      %add3A_221 = arith.addi %select_n3A_218, %add3A_220 : vector<16xi32>
      %gather3A_222 = tpu.vector_load_idx %arg14[%add3A_221] : memref<2048xf32, #tpu.memory_space<vmem>>[vector<16xi32>], vector<16xf32>,
      %le3A_223 = arith.cmpf ole, %gather3A_222, %convert_element_type3A : vector<16xf32>
      %add3A_224 = arith.constant 256 : i32
      %add3A_225 = vector.broadcast %add3A_224 : i32 to vector<16xi32>
      %add3A_226 = arith.addi %select_n3A_218, %add3A_225 : vector<16xi32>
      %select_n3A_227 = arith.select %le3A_223, %add3A_226, %select_n3A_218 : vector<16xi1>, vector<16xi32>
      %add3A_228 = arith.constant 127 : i32
      %add3A_229 = vector.broadcast %add3A_228 : i32 to vector<16xi32>
      %add3A_230 = arith.addi %select_n3A_227, %add3A_229 : vector<16xi32>
      %gather3A_231 = tpu.vector_load_idx %arg14[%add3A_230] : memref<2048xf32, #tpu.memory_space<vmem>>[vector<16xi32>], vector<16xf32>,
      %le3A_232 = arith.cmpf ole, %gather3A_231, %convert_element_type3A : vector<16xf32>
      %add3A_233 = arith.constant 128 : i32
      %add3A_234 = vector.broadcast %add3A_233 : i32 to vector<16xi32>
      %add3A_235 = arith.addi %select_n3A_227, %add3A_234 : vector<16xi32>
      %select_n3A_236 = arith.select %le3A_232, %add3A_235, %select_n3A_227 : vector<16xi1>, vector<16xi32>
      %add3A_237 = arith.constant 63 : i32
      %add3A_238 = vector.broadcast %add3A_237 : i32 to vector<16xi32>
      %add3A_239 = arith.addi %select_n3A_236, %add3A_238 : vector<16xi32>
      %gather3A_240 = tpu.vector_load_idx %arg14[%add3A_239] : memref<2048xf32, #tpu.memory_space<vmem>>[vector<16xi32>], vector<16xf32>,
      %le3A_241 = arith.cmpf ole, %gather3A_240, %convert_element_type3A : vector<16xf32>
      %add3A_242 = arith.constant 64 : i32
      %add3A_243 = vector.broadcast %add3A_242 : i32 to vector<16xi32>
      %add3A_244 = arith.addi %select_n3A_236, %add3A_243 : vector<16xi32>
      %select_n3A_245 = arith.select %le3A_241, %add3A_244, %select_n3A_236 : vector<16xi1>, vector<16xi32>
      %add3A_246 = arith.constant 31 : i32
      %add3A_247 = vector.broadcast %add3A_246 : i32 to vector<16xi32>
      %add3A_248 = arith.addi %select_n3A_245, %add3A_247 : vector<16xi32>
      %gather3A_249 = tpu.vector_load_idx %arg14[%add3A_248] : memref<2048xf32, #tpu.memory_space<vmem>>[vector<16xi32>], vector<16xf32>,
      %le3A_250 = arith.cmpf ole, %gather3A_249, %convert_element_type3A : vector<16xf32>
      %add3A_251 = arith.constant 32 : i32
      %add3A_252 = vector.broadcast %add3A_251 : i32 to vector<16xi32>
      %add3A_253 = arith.addi %select_n3A_245, %add3A_252 : vector<16xi32>
      %select_n3A_254 = arith.select %le3A_250, %add3A_253, %select_n3A_245 : vector<16xi1>, vector<16xi32>
      %add3A_255 = arith.constant 15 : i32
      %add3A_256 = vector.broadcast %add3A_255 : i32 to vector<16xi32>
      %add3A_257 = arith.addi %select_n3A_254, %add3A_256 : vector<16xi32>
      %gather3A_258 = tpu.vector_load_idx %arg14[%add3A_257] : memref<2048xf32, #tpu.memory_space<vmem>>[vector<16xi32>], vector<16xf32>,
      %le3A_259 = arith.cmpf ole, %gather3A_258, %convert_element_type3A : vector<16xf32>
      %add3A_260 = arith.constant 16 : i32
      %add3A_261 = vector.broadcast %add3A_260 : i32 to vector<16xi32>
      %add3A_262 = arith.addi %select_n3A_254, %add3A_261 : vector<16xi32>
      %select_n3A_263 = arith.select %le3A_259, %add3A_262, %select_n3A_254 : vector<16xi1>, vector<16xi32>
      %add3A_264 = arith.constant 7 : i32
      %add3A_265 = vector.broadcast %add3A_264 : i32 to vector<16xi32>
      %add3A_266 = arith.addi %select_n3A_263, %add3A_265 : vector<16xi32>
      %gather3A_267 = tpu.vector_load_idx %arg14[%add3A_266] : memref<2048xf32, #tpu.memory_space<vmem>>[vector<16xi32>], vector<16xf32>,
      %le3A_268 = arith.cmpf ole, %gather3A_267, %convert_element_type3A : vector<16xf32>
      %add3A_269 = arith.constant 8 : i32
      %add3A_270 = vector.broadcast %add3A_269 : i32 to vector<16xi32>
      %add3A_271 = arith.addi %select_n3A_263, %add3A_270 : vector<16xi32>
      %select_n3A_272 = arith.select %le3A_268, %add3A_271, %select_n3A_263 : vector<16xi1>, vector<16xi32>
      %add3A_273 = arith.constant 3 : i32
      %add3A_274 = vector.broadcast %add3A_273 : i32 to vector<16xi32>
      %add3A_275 = arith.addi %select_n3A_272, %add3A_274 : vector<16xi32>
      %gather3A_276 = tpu.vector_load_idx %arg14[%add3A_275] : memref<2048xf32, #tpu.memory_space<vmem>>[vector<16xi32>], vector<16xf32>,
      %le3A_277 = arith.cmpf ole, %gather3A_276, %convert_element_type3A : vector<16xf32>
      %add3A_278 = arith.constant 4 : i32
      %add3A_279 = vector.broadcast %add3A_278 : i32 to vector<16xi32>
      %add3A_280 = arith.addi %select_n3A_272, %add3A_279 : vector<16xi32>
      %select_n3A_281 = arith.select %le3A_277, %add3A_280, %select_n3A_272 : vector<16xi1>, vector<16xi32>
      %add3A_282 = arith.constant 1 : i32
      %add3A_283 = vector.broadcast %add3A_282 : i32 to vector<16xi32>
      %add3A_284 = arith.addi %select_n3A_281, %add3A_283 : vector<16xi32>
      %gather3A_285 = tpu.vector_load_idx %arg14[%add3A_284] : memref<2048xf32, #tpu.memory_space<vmem>>[vector<16xi32>], vector<16xf32>,
      %le3A_286 = arith.cmpf ole, %gather3A_285, %convert_element_type3A : vector<16xf32>
      %add3A_287 = arith.constant 2 : i32
      %add3A_288 = vector.broadcast %add3A_287 : i32 to vector<16xi32>
      %add3A_289 = arith.addi %select_n3A_281, %add3A_288 : vector<16xi32>
      %select_n3A_290 = arith.select %le3A_286, %add3A_289, %select_n3A_281 : vector<16xi1>, vector<16xi32>
      %add3A_291 = arith.constant 0 : i32
      %add3A_292 = vector.broadcast %add3A_291 : i32 to vector<16xi32>
      %add3A_293 = arith.addi %select_n3A_290, %add3A_292 : vector<16xi32>
      %gather3A_294 = tpu.vector_load_idx %arg14[%add3A_293] : memref<2048xf32, #tpu.memory_space<vmem>>[vector<16xi32>], vector<16xf32>,
      %le3A_295 = arith.cmpf ole, %gather3A_294, %convert_element_type3A : vector<16xf32>
      %add3A_296 = arith.constant 1 : i32
      %add3A_297 = vector.broadcast %add3A_296 : i32 to vector<16xi32>
      %add3A_298 = arith.addi %select_n3A_290, %add3A_297 : vector<16xi32>
      %select_n3A_299 = arith.select %le3A_295, %add3A_298, %select_n3A_290 : vector<16xi1>, vector<16xi32>
      %mul3A_300 = arith.constant 16 : i32
      %mul3A_301 = arith.muli %scan3A_196, %mul3A_300 : i32
      %swap3A = arith.index_cast %mul3A_301 : i32 to index
      %swap3A_302 = tpu.vector_load %arg13[%swap3A] {strides = array<i32>} : memref<512xi32, #tpu.memory_space<vmem>>, vector<16xi32>,
      tpu.vector_store %arg13[%swap3A], %select_n3A_299 {strides = array<i32>} : memref<512xi32, #tpu.memory_space<vmem>>, vector<16xi32>,
      %mul3A_303 = arith.constant 16 : i32
      %mul3A_304 = arith.muli %scan3A_196, %mul3A_303 : i32
      %get3A_305 = arith.index_cast %mul3A_304 : i32 to index
      %get3A_306 = tpu.vector_load %arg12[%get3A_305] {strides = array<i32>} : memref<512xf32, #tpu.memory_space<vmem>>, vector<16xf32>,
      %mul3A_307 = arith.constant 16 : i32
      %mul3A_308 = arith.muli %scan3A_196, %mul3A_307 : i32
      %add3A_309 = vector.broadcast %mul3A_308 : i32 to vector<16xi32>
      %add3A_310 = arith.addi %add3A_309, %iota3A : vector<16xi32>
      %sub3A = arith.subf %get3A_306, %get3A_45 : vector<16xf32>
      %div3A = arith.divf %sub3A, %get3A_47 : vector<16xf32>
      tpu.vector_store_idx %arg18[%add3A_310, %broadcast_in_dim3A_48], %div3A : memref<512x1xf32, #tpu.memory_space<vmem>>[vector<16xi32>, vector<16xi32>], vector<16xf32>,
      %scan3A_311 = arith.constant 0 : i32
      %scan3A_312 = arith.constant 1 : i32
      %scan3A_313 = arith.addi %scan3A_196, %scan3A_312 : i32
      %mul3A_314 = arith.constant 16 : i32
      %mul3A_315 = arith.muli %scan3A_313, %mul3A_314 : i32
      %get3A_316 = arith.index_cast %mul3A_315 : i32 to index
      %get3A_317 = tpu.vector_load %arg11[%get3A_316] {strides = array<i32>} : memref<512xi32, #tpu.memory_space<vmem>>, vector<16xi32>,
      %convert_element_type3A_318 = arith.sitofp %get3A_317 : vector<16xi32> to vector<16xf32>
      %broadcast_in_dim3A_319 = arith.constant 0 : i32
      %broadcast_in_dim3A_320 = vector.broadcast %broadcast_in_dim3A_319 : i32 to vector<16xi32>
      %add3A_321 = arith.constant 1023 : i32
      %add3A_322 = vector.broadcast %add3A_321 : i32 to vector<16xi32>
      %add3A_323 = arith.addi %broadcast_in_dim3A_320, %add3A_322 : vector<16xi32>
      %gather3A_324 = tpu.vector_load_idx %arg14[%add3A_323] : memref<2048xf32, #tpu.memory_space<vmem>>[vector<16xi32>], vector<16xf32>,
      %le3A_325 = arith.cmpf ole, %gather3A_324, %convert_element_type3A_318 : vector<16xf32>
      %add3A_326 = arith.constant 1024 : i32
      %add3A_327 = vector.broadcast %add3A_326 : i32 to vector<16xi32>
      %add3A_328 = arith.addi %broadcast_in_dim3A_320, %add3A_327 : vector<16xi32>
      %select_n3A_329 = arith.select %le3A_325, %add3A_328, %broadcast_in_dim3A_320 : vector<16xi1>, vector<16xi32>
      %add3A_330 = arith.constant 511 : i32
      %add3A_331 = vector.broadcast %add3A_330 : i32 to vector<16xi32>
      %add3A_332 = arith.addi %select_n3A_329, %add3A_331 : vector<16xi32>
      %gather3A_333 = tpu.vector_load_idx %arg14[%add3A_332] : memref<2048xf32, #tpu.memory_space<vmem>>[vector<16xi32>], vector<16xf32>,
      %le3A_334 = arith.cmpf ole, %gather3A_333, %convert_element_type3A_318 : vector<16xf32>
      %add3A_335 = arith.constant 512 : i32
      %add3A_336 = vector.broadcast %add3A_335 : i32 to vector<16xi32>
      %add3A_337 = arith.addi %select_n3A_329, %add3A_336 : vector<16xi32>
      %select_n3A_338 = arith.select %le3A_334, %add3A_337, %select_n3A_329 : vector<16xi1>, vector<16xi32>
      %add3A_339 = arith.constant 255 : i32
      %add3A_340 = vector.broadcast %add3A_339 : i32 to vector<16xi32>
      %add3A_341 = arith.addi %select_n3A_338, %add3A_340 : vector<16xi32>
      %gather3A_342 = tpu.vector_load_idx %arg14[%add3A_341] : memref<2048xf32, #tpu.memory_space<vmem>>[vector<16xi32>], vector<16xf32>,
      %le3A_343 = arith.cmpf ole, %gather3A_342, %convert_element_type3A_318 : vector<16xf32>
      %add3A_344 = arith.constant 256 : i32
      %add3A_345 = vector.broadcast %add3A_344 : i32 to vector<16xi32>
      %add3A_346 = arith.addi %select_n3A_338, %add3A_345 : vector<16xi32>
      %select_n3A_347 = arith.select %le3A_343, %add3A_346, %select_n3A_338 : vector<16xi1>, vector<16xi32>
      %add3A_348 = arith.constant 127 : i32
      %add3A_349 = vector.broadcast %add3A_348 : i32 to vector<16xi32>
      %add3A_350 = arith.addi %select_n3A_347, %add3A_349 : vector<16xi32>
      %gather3A_351 = tpu.vector_load_idx %arg14[%add3A_350] : memref<2048xf32, #tpu.memory_space<vmem>>[vector<16xi32>], vector<16xf32>,
      %le3A_352 = arith.cmpf ole, %gather3A_351, %convert_element_type3A_318 : vector<16xf32>
      %add3A_353 = arith.constant 128 : i32
      %add3A_354 = vector.broadcast %add3A_353 : i32 to vector<16xi32>
      %add3A_355 = arith.addi %select_n3A_347, %add3A_354 : vector<16xi32>
      %select_n3A_356 = arith.select %le3A_352, %add3A_355, %select_n3A_347 : vector<16xi1>, vector<16xi32>
      %add3A_357 = arith.constant 63 : i32
      %add3A_358 = vector.broadcast %add3A_357 : i32 to vector<16xi32>
      %add3A_359 = arith.addi %select_n3A_356, %add3A_358 : vector<16xi32>
      %gather3A_360 = tpu.vector_load_idx %arg14[%add3A_359] : memref<2048xf32, #tpu.memory_space<vmem>>[vector<16xi32>], vector<16xf32>,
      %le3A_361 = arith.cmpf ole, %gather3A_360, %convert_element_type3A_318 : vector<16xf32>
      %add3A_362 = arith.constant 64 : i32
      %add3A_363 = vector.broadcast %add3A_362 : i32 to vector<16xi32>
      %add3A_364 = arith.addi %select_n3A_356, %add3A_363 : vector<16xi32>
      %select_n3A_365 = arith.select %le3A_361, %add3A_364, %select_n3A_356 : vector<16xi1>, vector<16xi32>
      %add3A_366 = arith.constant 31 : i32
      %add3A_367 = vector.broadcast %add3A_366 : i32 to vector<16xi32>
      %add3A_368 = arith.addi %select_n3A_365, %add3A_367 : vector<16xi32>
      %gather3A_369 = tpu.vector_load_idx %arg14[%add3A_368] : memref<2048xf32, #tpu.memory_space<vmem>>[vector<16xi32>], vector<16xf32>,
      %le3A_370 = arith.cmpf ole, %gather3A_369, %convert_element_type3A_318 : vector<16xf32>
      %add3A_371 = arith.constant 32 : i32
      %add3A_372 = vector.broadcast %add3A_371 : i32 to vector<16xi32>
      %add3A_373 = arith.addi %select_n3A_365, %add3A_372 : vector<16xi32>
      %select_n3A_374 = arith.select %le3A_370, %add3A_373, %select_n3A_365 : vector<16xi1>, vector<16xi32>
      %add3A_375 = arith.constant 15 : i32
      %add3A_376 = vector.broadcast %add3A_375 : i32 to vector<16xi32>
      %add3A_377 = arith.addi %select_n3A_374, %add3A_376 : vector<16xi32>
      %gather3A_378 = tpu.vector_load_idx %arg14[%add3A_377] : memref<2048xf32, #tpu.memory_space<vmem>>[vector<16xi32>], vector<16xf32>,
      %le3A_379 = arith.cmpf ole, %gather3A_378, %convert_element_type3A_318 : vector<16xf32>
      %add3A_380 = arith.constant 16 : i32
      %add3A_381 = vector.broadcast %add3A_380 : i32 to vector<16xi32>
      %add3A_382 = arith.addi %select_n3A_374, %add3A_381 : vector<16xi32>
      %select_n3A_383 = arith.select %le3A_379, %add3A_382, %select_n3A_374 : vector<16xi1>, vector<16xi32>
      %add3A_384 = arith.constant 7 : i32
      %add3A_385 = vector.broadcast %add3A_384 : i32 to vector<16xi32>
      %add3A_386 = arith.addi %select_n3A_383, %add3A_385 : vector<16xi32>
      %gather3A_387 = tpu.vector_load_idx %arg14[%add3A_386] : memref<2048xf32, #tpu.memory_space<vmem>>[vector<16xi32>], vector<16xf32>,
      %le3A_388 = arith.cmpf ole, %gather3A_387, %convert_element_type3A_318 : vector<16xf32>
      %add3A_389 = arith.constant 8 : i32
      %add3A_390 = vector.broadcast %add3A_389 : i32 to vector<16xi32>
      %add3A_391 = arith.addi %select_n3A_383, %add3A_390 : vector<16xi32>
      %select_n3A_392 = arith.select %le3A_388, %add3A_391, %select_n3A_383 : vector<16xi1>, vector<16xi32>
      %add3A_393 = arith.constant 3 : i32
      %add3A_394 = vector.broadcast %add3A_393 : i32 to vector<16xi32>
      %add3A_395 = arith.addi %select_n3A_392, %add3A_394 : vector<16xi32>
      %gather3A_396 = tpu.vector_load_idx %arg14[%add3A_395] : memref<2048xf32, #tpu.memory_space<vmem>>[vector<16xi32>], vector<16xf32>,
      %le3A_397 = arith.cmpf ole, %gather3A_396, %convert_element_type3A_318 : vector<16xf32>
      %add3A_398 = arith.constant 4 : i32
      %add3A_399 = vector.broadcast %add3A_398 : i32 to vector<16xi32>
      %add3A_400 = arith.addi %select_n3A_392, %add3A_399 : vector<16xi32>
      %select_n3A_401 = arith.select %le3A_397, %add3A_400, %select_n3A_392 : vector<16xi1>, vector<16xi32>
      %add3A_402 = arith.constant 1 : i32
      %add3A_403 = vector.broadcast %add3A_402 : i32 to vector<16xi32>
      %add3A_404 = arith.addi %select_n3A_401, %add3A_403 : vector<16xi32>
      %gather3A_405 = tpu.vector_load_idx %arg14[%add3A_404] : memref<2048xf32, #tpu.memory_space<vmem>>[vector<16xi32>], vector<16xf32>,
      %le3A_406 = arith.cmpf ole, %gather3A_405, %convert_element_type3A_318 : vector<16xf32>
      %add3A_407 = arith.constant 2 : i32
      %add3A_408 = vector.broadcast %add3A_407 : i32 to vector<16xi32>
      %add3A_409 = arith.addi %select_n3A_401, %add3A_408 : vector<16xi32>
      %select_n3A_410 = arith.select %le3A_406, %add3A_409, %select_n3A_401 : vector<16xi1>, vector<16xi32>
      %add3A_411 = arith.constant 0 : i32
      %add3A_412 = vector.broadcast %add3A_411 : i32 to vector<16xi32>
      %add3A_413 = arith.addi %select_n3A_410, %add3A_412 : vector<16xi32>
      %gather3A_414 = tpu.vector_load_idx %arg14[%add3A_413] : memref<2048xf32, #tpu.memory_space<vmem>>[vector<16xi32>], vector<16xf32>,
      %le3A_415 = arith.cmpf ole, %gather3A_414, %convert_element_type3A_318 : vector<16xf32>
      %add3A_416 = arith.constant 1 : i32
      %add3A_417 = vector.broadcast %add3A_416 : i32 to vector<16xi32>
      %add3A_418 = arith.addi %select_n3A_410, %add3A_417 : vector<16xi32>
      %select_n3A_419 = arith.select %le3A_415, %add3A_418, %select_n3A_410 : vector<16xi1>, vector<16xi32>
      %mul3A_420 = arith.constant 16 : i32
      %mul3A_421 = arith.muli %scan3A_313, %mul3A_420 : i32
      %swap3A_422 = arith.index_cast %mul3A_421 : i32 to index
      %swap3A_423 = tpu.vector_load %arg13[%swap3A_422] {strides = array<i32>} : memref<512xi32, #tpu.memory_space<vmem>>, vector<16xi32>,
      tpu.vector_store %arg13[%swap3A_422], %select_n3A_419 {strides = array<i32>} : memref<512xi32, #tpu.memory_space<vmem>>, vector<16xi32>,
      %mul3A_424 = arith.constant 16 : i32
      %mul3A_425 = arith.muli %scan3A_313, %mul3A_424 : i32
      %get3A_426 = arith.index_cast %mul3A_425 : i32 to index
      %get3A_427 = tpu.vector_load %arg12[%get3A_426] {strides = array<i32>} : memref<512xf32, #tpu.memory_space<vmem>>, vector<16xf32>,
      %mul3A_428 = arith.constant 16 : i32
      %mul3A_429 = arith.muli %scan3A_313, %mul3A_428 : i32
      %add3A_430 = vector.broadcast %mul3A_429 : i32 to vector<16xi32>
      %add3A_431 = arith.addi %add3A_430, %iota3A : vector<16xi32>
      %sub3A_432 = arith.subf %get3A_427, %get3A_45 : vector<16xf32>
      %div3A_433 = arith.divf %sub3A_432, %get3A_47 : vector<16xf32>
      tpu.vector_store_idx %arg18[%add3A_431, %broadcast_in_dim3A_48], %div3A_433 : memref<512x1xf32, #tpu.memory_space<vmem>>[vector<16xi32>, vector<16xi32>], vector<16xf32>,
      %scan3A_434 = arith.constant 0 : i32
      scf.yield %scan3A_434 : i32
    }
    %scan3A_54 = arith.constant 8 : i32
    %dma_start3A_55 = arith.constant 0 : i32
    %dma_start3A_56 = arith.constant 0 : i32
    %dma_start3A_57 = tpu.memref_slice %arg17[%dma_start3A_55, %dma_start3A_56] : memref<512x32xf32, #tpu.memory_space<vmem>> -> memref<128x32xf32, #tpu.memory_space<vmem>>
    %dma_start3A_58 = arith.constant 0 : i32
    %dma_start3A_59 = tpu.memref_slice %arg13[%dma_start3A_58] : memref<512xi32, #tpu.memory_space<vmem>> -> memref<128xi32, #tpu.memory_space<vmem>>
    %dma_start3A_60 = arith.constant 0 : i32
    %dma_start3A_61 = arith.constant 0 : i32
    %dma_start3A_62 = tpu.memref_slice %arg6[%dma_start3A_60, %dma_start3A_61] : memref<2001x32xf32, #tpu.memory_space<hbm>> -> memref<2001x32xf32, #tpu.memory_space<hbm>>
    tpu.enqueue_indirect_dma source(%dma_start3A_62 : memref<2001x32xf32, #tpu.memory_space<hbm>>) target(%dma_start3A_57 : memref<128x32xf32, #tpu.memory_space<vmem>>) offsets(%dma_start3A_59 : memref<128xi32, #tpu.memory_space<vmem>>) semaphore(%arg20 : memref<!tpu.dma_semaphore, #tpu.memory_space<semaphore_mem>>)
    %scan3A_63 = arith.constant 0 : i32
    %scan3A_64 = arith.constant 8 : i32
    %scan3A_65 = arith.constant 8 : i32
    %scan3A_66 = arith.addi %scan3A_64, %scan3A_65 : i32
    %scan3A_67 = arith.constant 2 : i32
    %scan3A_68 = scf.for %scan3A_196 = %scan3A_64 to %scan3A_66 step %scan3A_67 iter_args(%scan3A_197 = %scan3A_63) -> (i32)  : i32 {
      %mul3A_198 = arith.constant 16 : i32
      %mul3A_199 = arith.muli %scan3A_196, %mul3A_198 : i32
      %get3A_200 = arith.index_cast %mul3A_199 : i32 to index
      %get3A_201 = tpu.vector_load %arg11[%get3A_200] {strides = array<i32>} : memref<512xi32, #tpu.memory_space<vmem>>, vector<16xi32>,
      %convert_element_type3A = arith.sitofp %get3A_201 : vector<16xi32> to vector<16xf32>
      %broadcast_in_dim3A_202 = arith.constant 0 : i32
      %broadcast_in_dim3A_203 = vector.broadcast %broadcast_in_dim3A_202 : i32 to vector<16xi32>
      %add3A_204 = arith.constant 1023 : i32
      %add3A_205 = vector.broadcast %add3A_204 : i32 to vector<16xi32>
      %add3A_206 = arith.addi %broadcast_in_dim3A_203, %add3A_205 : vector<16xi32>
      %gather3A = tpu.vector_load_idx %arg14[%add3A_206] : memref<2048xf32, #tpu.memory_space<vmem>>[vector<16xi32>], vector<16xf32>,
      %le3A = arith.cmpf ole, %gather3A, %convert_element_type3A : vector<16xf32>
      %add3A_207 = arith.constant 1024 : i32
      %add3A_208 = vector.broadcast %add3A_207 : i32 to vector<16xi32>
      %add3A_209 = arith.addi %broadcast_in_dim3A_203, %add3A_208 : vector<16xi32>
      %select_n3A = arith.select %le3A, %add3A_209, %broadcast_in_dim3A_203 : vector<16xi1>, vector<16xi32>
      %add3A_210 = arith.constant 511 : i32
      %add3A_211 = vector.broadcast %add3A_210 : i32 to vector<16xi32>
      %add3A_212 = arith.addi %select_n3A, %add3A_211 : vector<16xi32>
      %gather3A_213 = tpu.vector_load_idx %arg14[%add3A_212] : memref<2048xf32, #tpu.memory_space<vmem>>[vector<16xi32>], vector<16xf32>,
      %le3A_214 = arith.cmpf ole, %gather3A_213, %convert_element_type3A : vector<16xf32>
      %add3A_215 = arith.constant 512 : i32
      %add3A_216 = vector.broadcast %add3A_215 : i32 to vector<16xi32>
      %add3A_217 = arith.addi %select_n3A, %add3A_216 : vector<16xi32>
      %select_n3A_218 = arith.select %le3A_214, %add3A_217, %select_n3A : vector<16xi1>, vector<16xi32>
      %add3A_219 = arith.constant 255 : i32
      %add3A_220 = vector.broadcast %add3A_219 : i32 to vector<16xi32>
      %add3A_221 = arith.addi %select_n3A_218, %add3A_220 : vector<16xi32>
      %gather3A_222 = tpu.vector_load_idx %arg14[%add3A_221] : memref<2048xf32, #tpu.memory_space<vmem>>[vector<16xi32>], vector<16xf32>,
      %le3A_223 = arith.cmpf ole, %gather3A_222, %convert_element_type3A : vector<16xf32>
      %add3A_224 = arith.constant 256 : i32
      %add3A_225 = vector.broadcast %add3A_224 : i32 to vector<16xi32>
      %add3A_226 = arith.addi %select_n3A_218, %add3A_225 : vector<16xi32>
      %select_n3A_227 = arith.select %le3A_223, %add3A_226, %select_n3A_218 : vector<16xi1>, vector<16xi32>
      %add3A_228 = arith.constant 127 : i32
      %add3A_229 = vector.broadcast %add3A_228 : i32 to vector<16xi32>
      %add3A_230 = arith.addi %select_n3A_227, %add3A_229 : vector<16xi32>
      %gather3A_231 = tpu.vector_load_idx %arg14[%add3A_230] : memref<2048xf32, #tpu.memory_space<vmem>>[vector<16xi32>], vector<16xf32>,
      %le3A_232 = arith.cmpf ole, %gather3A_231, %convert_element_type3A : vector<16xf32>
      %add3A_233 = arith.constant 128 : i32
      %add3A_234 = vector.broadcast %add3A_233 : i32 to vector<16xi32>
      %add3A_235 = arith.addi %select_n3A_227, %add3A_234 : vector<16xi32>
      %select_n3A_236 = arith.select %le3A_232, %add3A_235, %select_n3A_227 : vector<16xi1>, vector<16xi32>
      %add3A_237 = arith.constant 63 : i32
      %add3A_238 = vector.broadcast %add3A_237 : i32 to vector<16xi32>
      %add3A_239 = arith.addi %select_n3A_236, %add3A_238 : vector<16xi32>
      %gather3A_240 = tpu.vector_load_idx %arg14[%add3A_239] : memref<2048xf32, #tpu.memory_space<vmem>>[vector<16xi32>], vector<16xf32>,
      %le3A_241 = arith.cmpf ole, %gather3A_240, %convert_element_type3A : vector<16xf32>
      %add3A_242 = arith.constant 64 : i32
      %add3A_243 = vector.broadcast %add3A_242 : i32 to vector<16xi32>
      %add3A_244 = arith.addi %select_n3A_236, %add3A_243 : vector<16xi32>
      %select_n3A_245 = arith.select %le3A_241, %add3A_244, %select_n3A_236 : vector<16xi1>, vector<16xi32>
      %add3A_246 = arith.constant 31 : i32
      %add3A_247 = vector.broadcast %add3A_246 : i32 to vector<16xi32>
      %add3A_248 = arith.addi %select_n3A_245, %add3A_247 : vector<16xi32>
      %gather3A_249 = tpu.vector_load_idx %arg14[%add3A_248] : memref<2048xf32, #tpu.memory_space<vmem>>[vector<16xi32>], vector<16xf32>,
      %le3A_250 = arith.cmpf ole, %gather3A_249, %convert_element_type3A : vector<16xf32>
      %add3A_251 = arith.constant 32 : i32
      %add3A_252 = vector.broadcast %add3A_251 : i32 to vector<16xi32>
      %add3A_253 = arith.addi %select_n3A_245, %add3A_252 : vector<16xi32>
      %select_n3A_254 = arith.select %le3A_250, %add3A_253, %select_n3A_245 : vector<16xi1>, vector<16xi32>
      %add3A_255 = arith.constant 15 : i32
      %add3A_256 = vector.broadcast %add3A_255 : i32 to vector<16xi32>
      %add3A_257 = arith.addi %select_n3A_254, %add3A_256 : vector<16xi32>
      %gather3A_258 = tpu.vector_load_idx %arg14[%add3A_257] : memref<2048xf32, #tpu.memory_space<vmem>>[vector<16xi32>], vector<16xf32>,
      %le3A_259 = arith.cmpf ole, %gather3A_258, %convert_element_type3A : vector<16xf32>
      %add3A_260 = arith.constant 16 : i32
      %add3A_261 = vector.broadcast %add3A_260 : i32 to vector<16xi32>
      %add3A_262 = arith.addi %select_n3A_254, %add3A_261 : vector<16xi32>
      %select_n3A_263 = arith.select %le3A_259, %add3A_262, %select_n3A_254 : vector<16xi1>, vector<16xi32>
      %add3A_264 = arith.constant 7 : i32
      %add3A_265 = vector.broadcast %add3A_264 : i32 to vector<16xi32>
      %add3A_266 = arith.addi %select_n3A_263, %add3A_265 : vector<16xi32>
      %gather3A_267 = tpu.vector_load_idx %arg14[%add3A_266] : memref<2048xf32, #tpu.memory_space<vmem>>[vector<16xi32>], vector<16xf32>,
      %le3A_268 = arith.cmpf ole, %gather3A_267, %convert_element_type3A : vector<16xf32>
      %add3A_269 = arith.constant 8 : i32
      %add3A_270 = vector.broadcast %add3A_269 : i32 to vector<16xi32>
      %add3A_271 = arith.addi %select_n3A_263, %add3A_270 : vector<16xi32>
      %select_n3A_272 = arith.select %le3A_268, %add3A_271, %select_n3A_263 : vector<16xi1>, vector<16xi32>
      %add3A_273 = arith.constant 3 : i32
      %add3A_274 = vector.broadcast %add3A_273 : i32 to vector<16xi32>
      %add3A_275 = arith.addi %select_n3A_272, %add3A_274 : vector<16xi32>
      %gather3A_276 = tpu.vector_load_idx %arg14[%add3A_275] : memref<2048xf32, #tpu.memory_space<vmem>>[vector<16xi32>], vector<16xf32>,
      %le3A_277 = arith.cmpf ole, %gather3A_276, %convert_element_type3A : vector<16xf32>
      %add3A_278 = arith.constant 4 : i32
      %add3A_279 = vector.broadcast %add3A_278 : i32 to vector<16xi32>
      %add3A_280 = arith.addi %select_n3A_272, %add3A_279 : vector<16xi32>
      %select_n3A_281 = arith.select %le3A_277, %add3A_280, %select_n3A_272 : vector<16xi1>, vector<16xi32>
      %add3A_282 = arith.constant 1 : i32
      %add3A_283 = vector.broadcast %add3A_282 : i32 to vector<16xi32>
      %add3A_284 = arith.addi %select_n3A_281, %add3A_283 : vector<16xi32>
      %gather3A_285 = tpu.vector_load_idx %arg14[%add3A_284] : memref<2048xf32, #tpu.memory_space<vmem>>[vector<16xi32>], vector<16xf32>,
      %le3A_286 = arith.cmpf ole, %gather3A_285, %convert_element_type3A : vector<16xf32>
      %add3A_287 = arith.constant 2 : i32
      %add3A_288 = vector.broadcast %add3A_287 : i32 to vector<16xi32>
      %add3A_289 = arith.addi %select_n3A_281, %add3A_288 : vector<16xi32>
      %select_n3A_290 = arith.select %le3A_286, %add3A_289, %select_n3A_281 : vector<16xi1>, vector<16xi32>
      %add3A_291 = arith.constant 0 : i32
      %add3A_292 = vector.broadcast %add3A_291 : i32 to vector<16xi32>
      %add3A_293 = arith.addi %select_n3A_290, %add3A_292 : vector<16xi32>
      %gather3A_294 = tpu.vector_load_idx %arg14[%add3A_293] : memref<2048xf32, #tpu.memory_space<vmem>>[vector<16xi32>], vector<16xf32>,
      %le3A_295 = arith.cmpf ole, %gather3A_294, %convert_element_type3A : vector<16xf32>
      %add3A_296 = arith.constant 1 : i32
      %add3A_297 = vector.broadcast %add3A_296 : i32 to vector<16xi32>
      %add3A_298 = arith.addi %select_n3A_290, %add3A_297 : vector<16xi32>
      %select_n3A_299 = arith.select %le3A_295, %add3A_298, %select_n3A_290 : vector<16xi1>, vector<16xi32>
      %mul3A_300 = arith.constant 16 : i32
      %mul3A_301 = arith.muli %scan3A_196, %mul3A_300 : i32
      %swap3A = arith.index_cast %mul3A_301 : i32 to index
      %swap3A_302 = tpu.vector_load %arg13[%swap3A] {strides = array<i32>} : memref<512xi32, #tpu.memory_space<vmem>>, vector<16xi32>,
      tpu.vector_store %arg13[%swap3A], %select_n3A_299 {strides = array<i32>} : memref<512xi32, #tpu.memory_space<vmem>>, vector<16xi32>,
      %mul3A_303 = arith.constant 16 : i32
      %mul3A_304 = arith.muli %scan3A_196, %mul3A_303 : i32
      %get3A_305 = arith.index_cast %mul3A_304 : i32 to index
      %get3A_306 = tpu.vector_load %arg12[%get3A_305] {strides = array<i32>} : memref<512xf32, #tpu.memory_space<vmem>>, vector<16xf32>,
      %mul3A_307 = arith.constant 16 : i32
      %mul3A_308 = arith.muli %scan3A_196, %mul3A_307 : i32
      %add3A_309 = vector.broadcast %mul3A_308 : i32 to vector<16xi32>
      %add3A_310 = arith.addi %add3A_309, %iota3A : vector<16xi32>
      %sub3A = arith.subf %get3A_306, %get3A_45 : vector<16xf32>
      %div3A = arith.divf %sub3A, %get3A_47 : vector<16xf32>
      tpu.vector_store_idx %arg18[%add3A_310, %broadcast_in_dim3A_48], %div3A : memref<512x1xf32, #tpu.memory_space<vmem>>[vector<16xi32>, vector<16xi32>], vector<16xf32>,
      %scan3A_311 = arith.constant 0 : i32
      %scan3A_312 = arith.constant 1 : i32
      %scan3A_313 = arith.addi %scan3A_196, %scan3A_312 : i32
      %mul3A_314 = arith.constant 16 : i32
      %mul3A_315 = arith.muli %scan3A_313, %mul3A_314 : i32
      %get3A_316 = arith.index_cast %mul3A_315 : i32 to index
      %get3A_317 = tpu.vector_load %arg11[%get3A_316] {strides = array<i32>} : memref<512xi32, #tpu.memory_space<vmem>>, vector<16xi32>,
      %convert_element_type3A_318 = arith.sitofp %get3A_317 : vector<16xi32> to vector<16xf32>
      %broadcast_in_dim3A_319 = arith.constant 0 : i32
      %broadcast_in_dim3A_320 = vector.broadcast %broadcast_in_dim3A_319 : i32 to vector<16xi32>
      %add3A_321 = arith.constant 1023 : i32
      %add3A_322 = vector.broadcast %add3A_321 : i32 to vector<16xi32>
      %add3A_323 = arith.addi %broadcast_in_dim3A_320, %add3A_322 : vector<16xi32>
      %gather3A_324 = tpu.vector_load_idx %arg14[%add3A_323] : memref<2048xf32, #tpu.memory_space<vmem>>[vector<16xi32>], vector<16xf32>,
      %le3A_325 = arith.cmpf ole, %gather3A_324, %convert_element_type3A_318 : vector<16xf32>
      %add3A_326 = arith.constant 1024 : i32
      %add3A_327 = vector.broadcast %add3A_326 : i32 to vector<16xi32>
      %add3A_328 = arith.addi %broadcast_in_dim3A_320, %add3A_327 : vector<16xi32>
      %select_n3A_329 = arith.select %le3A_325, %add3A_328, %broadcast_in_dim3A_320 : vector<16xi1>, vector<16xi32>
      %add3A_330 = arith.constant 511 : i32
      %add3A_331 = vector.broadcast %add3A_330 : i32 to vector<16xi32>
      %add3A_332 = arith.addi %select_n3A_329, %add3A_331 : vector<16xi32>
      %gather3A_333 = tpu.vector_load_idx %arg14[%add3A_332] : memref<2048xf32, #tpu.memory_space<vmem>>[vector<16xi32>], vector<16xf32>,
      %le3A_334 = arith.cmpf ole, %gather3A_333, %convert_element_type3A_318 : vector<16xf32>
      %add3A_335 = arith.constant 512 : i32
      %add3A_336 = vector.broadcast %add3A_335 : i32 to vector<16xi32>
      %add3A_337 = arith.addi %select_n3A_329, %add3A_336 : vector<16xi32>
      %select_n3A_338 = arith.select %le3A_334, %add3A_337, %select_n3A_329 : vector<16xi1>, vector<16xi32>
      %add3A_339 = arith.constant 255 : i32
      %add3A_340 = vector.broadcast %add3A_339 : i32 to vector<16xi32>
      %add3A_341 = arith.addi %select_n3A_338, %add3A_340 : vector<16xi32>
      %gather3A_342 = tpu.vector_load_idx %arg14[%add3A_341] : memref<2048xf32, #tpu.memory_space<vmem>>[vector<16xi32>], vector<16xf32>,
      %le3A_343 = arith.cmpf ole, %gather3A_342, %convert_element_type3A_318 : vector<16xf32>
      %add3A_344 = arith.constant 256 : i32
      %add3A_345 = vector.broadcast %add3A_344 : i32 to vector<16xi32>
      %add3A_346 = arith.addi %select_n3A_338, %add3A_345 : vector<16xi32>
      %select_n3A_347 = arith.select %le3A_343, %add3A_346, %select_n3A_338 : vector<16xi1>, vector<16xi32>
      %add3A_348 = arith.constant 127 : i32
      %add3A_349 = vector.broadcast %add3A_348 : i32 to vector<16xi32>
      %add3A_350 = arith.addi %select_n3A_347, %add3A_349 : vector<16xi32>
      %gather3A_351 = tpu.vector_load_idx %arg14[%add3A_350] : memref<2048xf32, #tpu.memory_space<vmem>>[vector<16xi32>], vector<16xf32>,
      %le3A_352 = arith.cmpf ole, %gather3A_351, %convert_element_type3A_318 : vector<16xf32>
      %add3A_353 = arith.constant 128 : i32
      %add3A_354 = vector.broadcast %add3A_353 : i32 to vector<16xi32>
      %add3A_355 = arith.addi %select_n3A_347, %add3A_354 : vector<16xi32>
      %select_n3A_356 = arith.select %le3A_352, %add3A_355, %select_n3A_347 : vector<16xi1>, vector<16xi32>
      %add3A_357 = arith.constant 63 : i32
      %add3A_358 = vector.broadcast %add3A_357 : i32 to vector<16xi32>
      %add3A_359 = arith.addi %select_n3A_356, %add3A_358 : vector<16xi32>
      %gather3A_360 = tpu.vector_load_idx %arg14[%add3A_359] : memref<2048xf32, #tpu.memory_space<vmem>>[vector<16xi32>], vector<16xf32>,
      %le3A_361 = arith.cmpf ole, %gather3A_360, %convert_element_type3A_318 : vector<16xf32>
      %add3A_362 = arith.constant 64 : i32
      %add3A_363 = vector.broadcast %add3A_362 : i32 to vector<16xi32>
      %add3A_364 = arith.addi %select_n3A_356, %add3A_363 : vector<16xi32>
      %select_n3A_365 = arith.select %le3A_361, %add3A_364, %select_n3A_356 : vector<16xi1>, vector<16xi32>
      %add3A_366 = arith.constant 31 : i32
      %add3A_367 = vector.broadcast %add3A_366 : i32 to vector<16xi32>
      %add3A_368 = arith.addi %select_n3A_365, %add3A_367 : vector<16xi32>
      %gather3A_369 = tpu.vector_load_idx %arg14[%add3A_368] : memref<2048xf32, #tpu.memory_space<vmem>>[vector<16xi32>], vector<16xf32>,
      %le3A_370 = arith.cmpf ole, %gather3A_369, %convert_element_type3A_318 : vector<16xf32>
      %add3A_371 = arith.constant 32 : i32
      %add3A_372 = vector.broadcast %add3A_371 : i32 to vector<16xi32>
      %add3A_373 = arith.addi %select_n3A_365, %add3A_372 : vector<16xi32>
      %select_n3A_374 = arith.select %le3A_370, %add3A_373, %select_n3A_365 : vector<16xi1>, vector<16xi32>
      %add3A_375 = arith.constant 15 : i32
      %add3A_376 = vector.broadcast %add3A_375 : i32 to vector<16xi32>
      %add3A_377 = arith.addi %select_n3A_374, %add3A_376 : vector<16xi32>
      %gather3A_378 = tpu.vector_load_idx %arg14[%add3A_377] : memref<2048xf32, #tpu.memory_space<vmem>>[vector<16xi32>], vector<16xf32>,
      %le3A_379 = arith.cmpf ole, %gather3A_378, %convert_element_type3A_318 : vector<16xf32>
      %add3A_380 = arith.constant 16 : i32
      %add3A_381 = vector.broadcast %add3A_380 : i32 to vector<16xi32>
      %add3A_382 = arith.addi %select_n3A_374, %add3A_381 : vector<16xi32>
      %select_n3A_383 = arith.select %le3A_379, %add3A_382, %select_n3A_374 : vector<16xi1>, vector<16xi32>
      %add3A_384 = arith.constant 7 : i32
      %add3A_385 = vector.broadcast %add3A_384 : i32 to vector<16xi32>
      %add3A_386 = arith.addi %select_n3A_383, %add3A_385 : vector<16xi32>
      %gather3A_387 = tpu.vector_load_idx %arg14[%add3A_386] : memref<2048xf32, #tpu.memory_space<vmem>>[vector<16xi32>], vector<16xf32>,
      %le3A_388 = arith.cmpf ole, %gather3A_387, %convert_element_type3A_318 : vector<16xf32>
      %add3A_389 = arith.constant 8 : i32
      %add3A_390 = vector.broadcast %add3A_389 : i32 to vector<16xi32>
      %add3A_391 = arith.addi %select_n3A_383, %add3A_390 : vector<16xi32>
      %select_n3A_392 = arith.select %le3A_388, %add3A_391, %select_n3A_383 : vector<16xi1>, vector<16xi32>
      %add3A_393 = arith.constant 3 : i32
      %add3A_394 = vector.broadcast %add3A_393 : i32 to vector<16xi32>
      %add3A_395 = arith.addi %select_n3A_392, %add3A_394 : vector<16xi32>
      %gather3A_396 = tpu.vector_load_idx %arg14[%add3A_395] : memref<2048xf32, #tpu.memory_space<vmem>>[vector<16xi32>], vector<16xf32>,
      %le3A_397 = arith.cmpf ole, %gather3A_396, %convert_element_type3A_318 : vector<16xf32>
      %add3A_398 = arith.constant 4 : i32
      %add3A_399 = vector.broadcast %add3A_398 : i32 to vector<16xi32>
      %add3A_400 = arith.addi %select_n3A_392, %add3A_399 : vector<16xi32>
      %select_n3A_401 = arith.select %le3A_397, %add3A_400, %select_n3A_392 : vector<16xi1>, vector<16xi32>
      %add3A_402 = arith.constant 1 : i32
      %add3A_403 = vector.broadcast %add3A_402 : i32 to vector<16xi32>
      %add3A_404 = arith.addi %select_n3A_401, %add3A_403 : vector<16xi32>
      %gather3A_405 = tpu.vector_load_idx %arg14[%add3A_404] : memref<2048xf32, #tpu.memory_space<vmem>>[vector<16xi32>], vector<16xf32>,
      %le3A_406 = arith.cmpf ole, %gather3A_405, %convert_element_type3A_318 : vector<16xf32>
      %add3A_407 = arith.constant 2 : i32
      %add3A_408 = vector.broadcast %add3A_407 : i32 to vector<16xi32>
      %add3A_409 = arith.addi %select_n3A_401, %add3A_408 : vector<16xi32>
      %select_n3A_410 = arith.select %le3A_406, %add3A_409, %select_n3A_401 : vector<16xi1>, vector<16xi32>
      %add3A_411 = arith.constant 0 : i32
      %add3A_412 = vector.broadcast %add3A_411 : i32 to vector<16xi32>
      %add3A_413 = arith.addi %select_n3A_410, %add3A_412 : vector<16xi32>
      %gather3A_414 = tpu.vector_load_idx %arg14[%add3A_413] : memref<2048xf32, #tpu.memory_space<vmem>>[vector<16xi32>], vector<16xf32>,
      %le3A_415 = arith.cmpf ole, %gather3A_414, %convert_element_type3A_318 : vector<16xf32>
      %add3A_416 = arith.constant 1 : i32
      %add3A_417 = vector.broadcast %add3A_416 : i32 to vector<16xi32>
      %add3A_418 = arith.addi %select_n3A_410, %add3A_417 : vector<16xi32>
      %select_n3A_419 = arith.select %le3A_415, %add3A_418, %select_n3A_410 : vector<16xi1>, vector<16xi32>
      %mul3A_420 = arith.constant 16 : i32
      %mul3A_421 = arith.muli %scan3A_313, %mul3A_420 : i32
      %swap3A_422 = arith.index_cast %mul3A_421 : i32 to index
      %swap3A_423 = tpu.vector_load %arg13[%swap3A_422] {strides = array<i32>} : memref<512xi32, #tpu.memory_space<vmem>>, vector<16xi32>,
      tpu.vector_store %arg13[%swap3A_422], %select_n3A_419 {strides = array<i32>} : memref<512xi32, #tpu.memory_space<vmem>>, vector<16xi32>,
      %mul3A_424 = arith.constant 16 : i32
      %mul3A_425 = arith.muli %scan3A_313, %mul3A_424 : i32
      %get3A_426 = arith.index_cast %mul3A_425 : i32 to index
      %get3A_427 = tpu.vector_load %arg12[%get3A_426] {strides = array<i32>} : memref<512xf32, #tpu.memory_space<vmem>>, vector<16xf32>,
      %mul3A_428 = arith.constant 16 : i32
      %mul3A_429 = arith.muli %scan3A_313, %mul3A_428 : i32
      %add3A_430 = vector.broadcast %mul3A_429 : i32 to vector<16xi32>
      %add3A_431 = arith.addi %add3A_430, %iota3A : vector<16xi32>
      %sub3A_432 = arith.subf %get3A_427, %get3A_45 : vector<16xf32>
      %div3A_433 = arith.divf %sub3A_432, %get3A_47 : vector<16xf32>
      tpu.vector_store_idx %arg18[%add3A_431, %broadcast_in_dim3A_48], %div3A_433 : memref<512x1xf32, #tpu.memory_space<vmem>>[vector<16xi32>, vector<16xi32>], vector<16xf32>,
      %scan3A_434 = arith.constant 0 : i32
      scf.yield %scan3A_434 : i32
    }
    %scan3A_69 = arith.constant 8 : i32
    %dma_start3A_70 = arith.constant 128 : i32
    %dma_start3A_71 = arith.constant 0 : i32
    %dma_start3A_72 = tpu.memref_slice %arg17[%dma_start3A_70, %dma_start3A_71] : memref<512x32xf32, #tpu.memory_space<vmem>> -> memref<128x32xf32, #tpu.memory_space<vmem>>
    %dma_start3A_73 = arith.constant 128 : i32
    %dma_start3A_74 = tpu.memref_slice %arg13[%dma_start3A_73] : memref<512xi32, #tpu.memory_space<vmem>> -> memref<128xi32, #tpu.memory_space<vmem>>
    %dma_start3A_75 = arith.constant 0 : i32
    %dma_start3A_76 = arith.constant 0 : i32
    %dma_start3A_77 = tpu.memref_slice %arg6[%dma_start3A_75, %dma_start3A_76] : memref<2001x32xf32, #tpu.memory_space<hbm>> -> memref<2001x32xf32, #tpu.memory_space<hbm>>
    tpu.enqueue_indirect_dma source(%dma_start3A_77 : memref<2001x32xf32, #tpu.memory_space<hbm>>) target(%dma_start3A_72 : memref<128x32xf32, #tpu.memory_space<vmem>>) offsets(%dma_start3A_74 : memref<128xi32, #tpu.memory_space<vmem>>) semaphore(%arg20 : memref<!tpu.dma_semaphore, #tpu.memory_space<semaphore_mem>>)
    %scan3A_78 = arith.constant 0 : i32
    %scan3A_79 = arith.constant 16 : i32
    %scan3A_80 = arith.constant 8 : i32
    %scan3A_81 = arith.addi %scan3A_79, %scan3A_80 : i32
    %scan3A_82 = arith.constant 2 : i32
    %scan3A_83 = scf.for %scan3A_196 = %scan3A_79 to %scan3A_81 step %scan3A_82 iter_args(%scan3A_197 = %scan3A_78) -> (i32)  : i32 {
      %mul3A_198 = arith.constant 16 : i32
      %mul3A_199 = arith.muli %scan3A_196, %mul3A_198 : i32
      %get3A_200 = arith.index_cast %mul3A_199 : i32 to index
      %get3A_201 = tpu.vector_load %arg11[%get3A_200] {strides = array<i32>} : memref<512xi32, #tpu.memory_space<vmem>>, vector<16xi32>,
      %convert_element_type3A = arith.sitofp %get3A_201 : vector<16xi32> to vector<16xf32>
      %broadcast_in_dim3A_202 = arith.constant 0 : i32
      %broadcast_in_dim3A_203 = vector.broadcast %broadcast_in_dim3A_202 : i32 to vector<16xi32>
      %add3A_204 = arith.constant 1023 : i32
      %add3A_205 = vector.broadcast %add3A_204 : i32 to vector<16xi32>
      %add3A_206 = arith.addi %broadcast_in_dim3A_203, %add3A_205 : vector<16xi32>
      %gather3A = tpu.vector_load_idx %arg14[%add3A_206] : memref<2048xf32, #tpu.memory_space<vmem>>[vector<16xi32>], vector<16xf32>,
      %le3A = arith.cmpf ole, %gather3A, %convert_element_type3A : vector<16xf32>
      %add3A_207 = arith.constant 1024 : i32
      %add3A_208 = vector.broadcast %add3A_207 : i32 to vector<16xi32>
      %add3A_209 = arith.addi %broadcast_in_dim3A_203, %add3A_208 : vector<16xi32>
      %select_n3A = arith.select %le3A, %add3A_209, %broadcast_in_dim3A_203 : vector<16xi1>, vector<16xi32>
      %add3A_210 = arith.constant 511 : i32
      %add3A_211 = vector.broadcast %add3A_210 : i32 to vector<16xi32>
      %add3A_212 = arith.addi %select_n3A, %add3A_211 : vector<16xi32>
      %gather3A_213 = tpu.vector_load_idx %arg14[%add3A_212] : memref<2048xf32, #tpu.memory_space<vmem>>[vector<16xi32>], vector<16xf32>,
      %le3A_214 = arith.cmpf ole, %gather3A_213, %convert_element_type3A : vector<16xf32>
      %add3A_215 = arith.constant 512 : i32
      %add3A_216 = vector.broadcast %add3A_215 : i32 to vector<16xi32>
      %add3A_217 = arith.addi %select_n3A, %add3A_216 : vector<16xi32>
      %select_n3A_218 = arith.select %le3A_214, %add3A_217, %select_n3A : vector<16xi1>, vector<16xi32>
      %add3A_219 = arith.constant 255 : i32
      %add3A_220 = vector.broadcast %add3A_219 : i32 to vector<16xi32>
      %add3A_221 = arith.addi %select_n3A_218, %add3A_220 : vector<16xi32>
      %gather3A_222 = tpu.vector_load_idx %arg14[%add3A_221] : memref<2048xf32, #tpu.memory_space<vmem>>[vector<16xi32>], vector<16xf32>,
      %le3A_223 = arith.cmpf ole, %gather3A_222, %convert_element_type3A : vector<16xf32>
      %add3A_224 = arith.constant 256 : i32
      %add3A_225 = vector.broadcast %add3A_224 : i32 to vector<16xi32>
      %add3A_226 = arith.addi %select_n3A_218, %add3A_225 : vector<16xi32>
      %select_n3A_227 = arith.select %le3A_223, %add3A_226, %select_n3A_218 : vector<16xi1>, vector<16xi32>
      %add3A_228 = arith.constant 127 : i32
      %add3A_229 = vector.broadcast %add3A_228 : i32 to vector<16xi32>
      %add3A_230 = arith.addi %select_n3A_227, %add3A_229 : vector<16xi32>
      %gather3A_231 = tpu.vector_load_idx %arg14[%add3A_230] : memref<2048xf32, #tpu.memory_space<vmem>>[vector<16xi32>], vector<16xf32>,
      %le3A_232 = arith.cmpf ole, %gather3A_231, %convert_element_type3A : vector<16xf32>
      %add3A_233 = arith.constant 128 : i32
      %add3A_234 = vector.broadcast %add3A_233 : i32 to vector<16xi32>
      %add3A_235 = arith.addi %select_n3A_227, %add3A_234 : vector<16xi32>
      %select_n3A_236 = arith.select %le3A_232, %add3A_235, %select_n3A_227 : vector<16xi1>, vector<16xi32>
      %add3A_237 = arith.constant 63 : i32
      %add3A_238 = vector.broadcast %add3A_237 : i32 to vector<16xi32>
      %add3A_239 = arith.addi %select_n3A_236, %add3A_238 : vector<16xi32>
      %gather3A_240 = tpu.vector_load_idx %arg14[%add3A_239] : memref<2048xf32, #tpu.memory_space<vmem>>[vector<16xi32>], vector<16xf32>,
      %le3A_241 = arith.cmpf ole, %gather3A_240, %convert_element_type3A : vector<16xf32>
      %add3A_242 = arith.constant 64 : i32
      %add3A_243 = vector.broadcast %add3A_242 : i32 to vector<16xi32>
      %add3A_244 = arith.addi %select_n3A_236, %add3A_243 : vector<16xi32>
      %select_n3A_245 = arith.select %le3A_241, %add3A_244, %select_n3A_236 : vector<16xi1>, vector<16xi32>
      %add3A_246 = arith.constant 31 : i32
      %add3A_247 = vector.broadcast %add3A_246 : i32 to vector<16xi32>
      %add3A_248 = arith.addi %select_n3A_245, %add3A_247 : vector<16xi32>
      %gather3A_249 = tpu.vector_load_idx %arg14[%add3A_248] : memref<2048xf32, #tpu.memory_space<vmem>>[vector<16xi32>], vector<16xf32>,
      %le3A_250 = arith.cmpf ole, %gather3A_249, %convert_element_type3A : vector<16xf32>
      %add3A_251 = arith.constant 32 : i32
      %add3A_252 = vector.broadcast %add3A_251 : i32 to vector<16xi32>
      %add3A_253 = arith.addi %select_n3A_245, %add3A_252 : vector<16xi32>
      %select_n3A_254 = arith.select %le3A_250, %add3A_253, %select_n3A_245 : vector<16xi1>, vector<16xi32>
      %add3A_255 = arith.constant 15 : i32
      %add3A_256 = vector.broadcast %add3A_255 : i32 to vector<16xi32>
      %add3A_257 = arith.addi %select_n3A_254, %add3A_256 : vector<16xi32>
      %gather3A_258 = tpu.vector_load_idx %arg14[%add3A_257] : memref<2048xf32, #tpu.memory_space<vmem>>[vector<16xi32>], vector<16xf32>,
      %le3A_259 = arith.cmpf ole, %gather3A_258, %convert_element_type3A : vector<16xf32>
      %add3A_260 = arith.constant 16 : i32
      %add3A_261 = vector.broadcast %add3A_260 : i32 to vector<16xi32>
      %add3A_262 = arith.addi %select_n3A_254, %add3A_261 : vector<16xi32>
      %select_n3A_263 = arith.select %le3A_259, %add3A_262, %select_n3A_254 : vector<16xi1>, vector<16xi32>
      %add3A_264 = arith.constant 7 : i32
      %add3A_265 = vector.broadcast %add3A_264 : i32 to vector<16xi32>
      %add3A_266 = arith.addi %select_n3A_263, %add3A_265 : vector<16xi32>
      %gather3A_267 = tpu.vector_load_idx %arg14[%add3A_266] : memref<2048xf32, #tpu.memory_space<vmem>>[vector<16xi32>], vector<16xf32>,
      %le3A_268 = arith.cmpf ole, %gather3A_267, %convert_element_type3A : vector<16xf32>
      %add3A_269 = arith.constant 8 : i32
      %add3A_270 = vector.broadcast %add3A_269 : i32 to vector<16xi32>
      %add3A_271 = arith.addi %select_n3A_263, %add3A_270 : vector<16xi32>
      %select_n3A_272 = arith.select %le3A_268, %add3A_271, %select_n3A_263 : vector<16xi1>, vector<16xi32>
      %add3A_273 = arith.constant 3 : i32
      %add3A_274 = vector.broadcast %add3A_273 : i32 to vector<16xi32>
      %add3A_275 = arith.addi %select_n3A_272, %add3A_274 : vector<16xi32>
      %gather3A_276 = tpu.vector_load_idx %arg14[%add3A_275] : memref<2048xf32, #tpu.memory_space<vmem>>[vector<16xi32>], vector<16xf32>,
      %le3A_277 = arith.cmpf ole, %gather3A_276, %convert_element_type3A : vector<16xf32>
      %add3A_278 = arith.constant 4 : i32
      %add3A_279 = vector.broadcast %add3A_278 : i32 to vector<16xi32>
      %add3A_280 = arith.addi %select_n3A_272, %add3A_279 : vector<16xi32>
      %select_n3A_281 = arith.select %le3A_277, %add3A_280, %select_n3A_272 : vector<16xi1>, vector<16xi32>
      %add3A_282 = arith.constant 1 : i32
      %add3A_283 = vector.broadcast %add3A_282 : i32 to vector<16xi32>
      %add3A_284 = arith.addi %select_n3A_281, %add3A_283 : vector<16xi32>
      %gather3A_285 = tpu.vector_load_idx %arg14[%add3A_284] : memref<2048xf32, #tpu.memory_space<vmem>>[vector<16xi32>], vector<16xf32>,
      %le3A_286 = arith.cmpf ole, %gather3A_285, %convert_element_type3A : vector<16xf32>
      %add3A_287 = arith.constant 2 : i32
      %add3A_288 = vector.broadcast %add3A_287 : i32 to vector<16xi32>
      %add3A_289 = arith.addi %select_n3A_281, %add3A_288 : vector<16xi32>
      %select_n3A_290 = arith.select %le3A_286, %add3A_289, %select_n3A_281 : vector<16xi1>, vector<16xi32>
      %add3A_291 = arith.constant 0 : i32
      %add3A_292 = vector.broadcast %add3A_291 : i32 to vector<16xi32>
      %add3A_293 = arith.addi %select_n3A_290, %add3A_292 : vector<16xi32>
      %gather3A_294 = tpu.vector_load_idx %arg14[%add3A_293] : memref<2048xf32, #tpu.memory_space<vmem>>[vector<16xi32>], vector<16xf32>,
      %le3A_295 = arith.cmpf ole, %gather3A_294, %convert_element_type3A : vector<16xf32>
      %add3A_296 = arith.constant 1 : i32
      %add3A_297 = vector.broadcast %add3A_296 : i32 to vector<16xi32>
      %add3A_298 = arith.addi %select_n3A_290, %add3A_297 : vector<16xi32>
      %select_n3A_299 = arith.select %le3A_295, %add3A_298, %select_n3A_290 : vector<16xi1>, vector<16xi32>
      %mul3A_300 = arith.constant 16 : i32
      %mul3A_301 = arith.muli %scan3A_196, %mul3A_300 : i32
      %swap3A = arith.index_cast %mul3A_301 : i32 to index
      %swap3A_302 = tpu.vector_load %arg13[%swap3A] {strides = array<i32>} : memref<512xi32, #tpu.memory_space<vmem>>, vector<16xi32>,
      tpu.vector_store %arg13[%swap3A], %select_n3A_299 {strides = array<i32>} : memref<512xi32, #tpu.memory_space<vmem>>, vector<16xi32>,
      %mul3A_303 = arith.constant 16 : i32
      %mul3A_304 = arith.muli %scan3A_196, %mul3A_303 : i32
      %get3A_305 = arith.index_cast %mul3A_304 : i32 to index
      %get3A_306 = tpu.vector_load %arg12[%get3A_305] {strides = array<i32>} : memref<512xf32, #tpu.memory_space<vmem>>, vector<16xf32>,
      %mul3A_307 = arith.constant 16 : i32
      %mul3A_308 = arith.muli %scan3A_196, %mul3A_307 : i32
      %add3A_309 = vector.broadcast %mul3A_308 : i32 to vector<16xi32>
      %add3A_310 = arith.addi %add3A_309, %iota3A : vector<16xi32>
      %sub3A = arith.subf %get3A_306, %get3A_45 : vector<16xf32>
      %div3A = arith.divf %sub3A, %get3A_47 : vector<16xf32>
      tpu.vector_store_idx %arg18[%add3A_310, %broadcast_in_dim3A_48], %div3A : memref<512x1xf32, #tpu.memory_space<vmem>>[vector<16xi32>, vector<16xi32>], vector<16xf32>,
      %scan3A_311 = arith.constant 0 : i32
      %scan3A_312 = arith.constant 1 : i32
      %scan3A_313 = arith.addi %scan3A_196, %scan3A_312 : i32
      %mul3A_314 = arith.constant 16 : i32
      %mul3A_315 = arith.muli %scan3A_313, %mul3A_314 : i32
      %get3A_316 = arith.index_cast %mul3A_315 : i32 to index
      %get3A_317 = tpu.vector_load %arg11[%get3A_316] {strides = array<i32>} : memref<512xi32, #tpu.memory_space<vmem>>, vector<16xi32>,
      %convert_element_type3A_318 = arith.sitofp %get3A_317 : vector<16xi32> to vector<16xf32>
      %broadcast_in_dim3A_319 = arith.constant 0 : i32
      %broadcast_in_dim3A_320 = vector.broadcast %broadcast_in_dim3A_319 : i32 to vector<16xi32>
      %add3A_321 = arith.constant 1023 : i32
      %add3A_322 = vector.broadcast %add3A_321 : i32 to vector<16xi32>
      %add3A_323 = arith.addi %broadcast_in_dim3A_320, %add3A_322 : vector<16xi32>
      %gather3A_324 = tpu.vector_load_idx %arg14[%add3A_323] : memref<2048xf32, #tpu.memory_space<vmem>>[vector<16xi32>], vector<16xf32>,
      %le3A_325 = arith.cmpf ole, %gather3A_324, %convert_element_type3A_318 : vector<16xf32>
      %add3A_326 = arith.constant 1024 : i32
      %add3A_327 = vector.broadcast %add3A_326 : i32 to vector<16xi32>
      %add3A_328 = arith.addi %broadcast_in_dim3A_320, %add3A_327 : vector<16xi32>
      %select_n3A_329 = arith.select %le3A_325, %add3A_328, %broadcast_in_dim3A_320 : vector<16xi1>, vector<16xi32>
      %add3A_330 = arith.constant 511 : i32
      %add3A_331 = vector.broadcast %add3A_330 : i32 to vector<16xi32>
      %add3A_332 = arith.addi %select_n3A_329, %add3A_331 : vector<16xi32>
      %gather3A_333 = tpu.vector_load_idx %arg14[%add3A_332] : memref<2048xf32, #tpu.memory_space<vmem>>[vector<16xi32>], vector<16xf32>,
      %le3A_334 = arith.cmpf ole, %gather3A_333, %convert_element_type3A_318 : vector<16xf32>
      %add3A_335 = arith.constant 512 : i32
      %add3A_336 = vector.broadcast %add3A_335 : i32 to vector<16xi32>
      %add3A_337 = arith.addi %select_n3A_329, %add3A_336 : vector<16xi32>
      %select_n3A_338 = arith.select %le3A_334, %add3A_337, %select_n3A_329 : vector<16xi1>, vector<16xi32>
      %add3A_339 = arith.constant 255 : i32
      %add3A_340 = vector.broadcast %add3A_339 : i32 to vector<16xi32>
      %add3A_341 = arith.addi %select_n3A_338, %add3A_340 : vector<16xi32>
      %gather3A_342 = tpu.vector_load_idx %arg14[%add3A_341] : memref<2048xf32, #tpu.memory_space<vmem>>[vector<16xi32>], vector<16xf32>,
      %le3A_343 = arith.cmpf ole, %gather3A_342, %convert_element_type3A_318 : vector<16xf32>
      %add3A_344 = arith.constant 256 : i32
      %add3A_345 = vector.broadcast %add3A_344 : i32 to vector<16xi32>
      %add3A_346 = arith.addi %select_n3A_338, %add3A_345 : vector<16xi32>
      %select_n3A_347 = arith.select %le3A_343, %add3A_346, %select_n3A_338 : vector<16xi1>, vector<16xi32>
      %add3A_348 = arith.constant 127 : i32
      %add3A_349 = vector.broadcast %add3A_348 : i32 to vector<16xi32>
      %add3A_350 = arith.addi %select_n3A_347, %add3A_349 : vector<16xi32>
      %gather3A_351 = tpu.vector_load_idx %arg14[%add3A_350] : memref<2048xf32, #tpu.memory_space<vmem>>[vector<16xi32>], vector<16xf32>,
      %le3A_352 = arith.cmpf ole, %gather3A_351, %convert_element_type3A_318 : vector<16xf32>
      %add3A_353 = arith.constant 128 : i32
      %add3A_354 = vector.broadcast %add3A_353 : i32 to vector<16xi32>
      %add3A_355 = arith.addi %select_n3A_347, %add3A_354 : vector<16xi32>
      %select_n3A_356 = arith.select %le3A_352, %add3A_355, %select_n3A_347 : vector<16xi1>, vector<16xi32>
      %add3A_357 = arith.constant 63 : i32
      %add3A_358 = vector.broadcast %add3A_357 : i32 to vector<16xi32>
      %add3A_359 = arith.addi %select_n3A_356, %add3A_358 : vector<16xi32>
      %gather3A_360 = tpu.vector_load_idx %arg14[%add3A_359] : memref<2048xf32, #tpu.memory_space<vmem>>[vector<16xi32>], vector<16xf32>,
      %le3A_361 = arith.cmpf ole, %gather3A_360, %convert_element_type3A_318 : vector<16xf32>
      %add3A_362 = arith.constant 64 : i32
      %add3A_363 = vector.broadcast %add3A_362 : i32 to vector<16xi32>
      %add3A_364 = arith.addi %select_n3A_356, %add3A_363 : vector<16xi32>
      %select_n3A_365 = arith.select %le3A_361, %add3A_364, %select_n3A_356 : vector<16xi1>, vector<16xi32>
      %add3A_366 = arith.constant 31 : i32
      %add3A_367 = vector.broadcast %add3A_366 : i32 to vector<16xi32>
      %add3A_368 = arith.addi %select_n3A_365, %add3A_367 : vector<16xi32>
      %gather3A_369 = tpu.vector_load_idx %arg14[%add3A_368] : memref<2048xf32, #tpu.memory_space<vmem>>[vector<16xi32>], vector<16xf32>,
      %le3A_370 = arith.cmpf ole, %gather3A_369, %convert_element_type3A_318 : vector<16xf32>
      %add3A_371 = arith.constant 32 : i32
      %add3A_372 = vector.broadcast %add3A_371 : i32 to vector<16xi32>
      %add3A_373 = arith.addi %select_n3A_365, %add3A_372 : vector<16xi32>
      %select_n3A_374 = arith.select %le3A_370, %add3A_373, %select_n3A_365 : vector<16xi1>, vector<16xi32>
      %add3A_375 = arith.constant 15 : i32
      %add3A_376 = vector.broadcast %add3A_375 : i32 to vector<16xi32>
      %add3A_377 = arith.addi %select_n3A_374, %add3A_376 : vector<16xi32>
      %gather3A_378 = tpu.vector_load_idx %arg14[%add3A_377] : memref<2048xf32, #tpu.memory_space<vmem>>[vector<16xi32>], vector<16xf32>,
      %le3A_379 = arith.cmpf ole, %gather3A_378, %convert_element_type3A_318 : vector<16xf32>
      %add3A_380 = arith.constant 16 : i32
      %add3A_381 = vector.broadcast %add3A_380 : i32 to vector<16xi32>
      %add3A_382 = arith.addi %select_n3A_374, %add3A_381 : vector<16xi32>
      %select_n3A_383 = arith.select %le3A_379, %add3A_382, %select_n3A_374 : vector<16xi1>, vector<16xi32>
      %add3A_384 = arith.constant 7 : i32
      %add3A_385 = vector.broadcast %add3A_384 : i32 to vector<16xi32>
      %add3A_386 = arith.addi %select_n3A_383, %add3A_385 : vector<16xi32>
      %gather3A_387 = tpu.vector_load_idx %arg14[%add3A_386] : memref<2048xf32, #tpu.memory_space<vmem>>[vector<16xi32>], vector<16xf32>,
      %le3A_388 = arith.cmpf ole, %gather3A_387, %convert_element_type3A_318 : vector<16xf32>
      %add3A_389 = arith.constant 8 : i32
      %add3A_390 = vector.broadcast %add3A_389 : i32 to vector<16xi32>
      %add3A_391 = arith.addi %select_n3A_383, %add3A_390 : vector<16xi32>
      %select_n3A_392 = arith.select %le3A_388, %add3A_391, %select_n3A_383 : vector<16xi1>, vector<16xi32>
      %add3A_393 = arith.constant 3 : i32
      %add3A_394 = vector.broadcast %add3A_393 : i32 to vector<16xi32>
      %add3A_395 = arith.addi %select_n3A_392, %add3A_394 : vector<16xi32>
      %gather3A_396 = tpu.vector_load_idx %arg14[%add3A_395] : memref<2048xf32, #tpu.memory_space<vmem>>[vector<16xi32>], vector<16xf32>,
      %le3A_397 = arith.cmpf ole, %gather3A_396, %convert_element_type3A_318 : vector<16xf32>
      %add3A_398 = arith.constant 4 : i32
      %add3A_399 = vector.broadcast %add3A_398 : i32 to vector<16xi32>
      %add3A_400 = arith.addi %select_n3A_392, %add3A_399 : vector<16xi32>
      %select_n3A_401 = arith.select %le3A_397, %add3A_400, %select_n3A_392 : vector<16xi1>, vector<16xi32>
      %add3A_402 = arith.constant 1 : i32
      %add3A_403 = vector.broadcast %add3A_402 : i32 to vector<16xi32>
      %add3A_404 = arith.addi %select_n3A_401, %add3A_403 : vector<16xi32>
      %gather3A_405 = tpu.vector_load_idx %arg14[%add3A_404] : memref<2048xf32, #tpu.memory_space<vmem>>[vector<16xi32>], vector<16xf32>,
      %le3A_406 = arith.cmpf ole, %gather3A_405, %convert_element_type3A_318 : vector<16xf32>
      %add3A_407 = arith.constant 2 : i32
      %add3A_408 = vector.broadcast %add3A_407 : i32 to vector<16xi32>
      %add3A_409 = arith.addi %select_n3A_401, %add3A_408 : vector<16xi32>
      %select_n3A_410 = arith.select %le3A_406, %add3A_409, %select_n3A_401 : vector<16xi1>, vector<16xi32>
      %add3A_411 = arith.constant 0 : i32
      %add3A_412 = vector.broadcast %add3A_411 : i32 to vector<16xi32>
      %add3A_413 = arith.addi %select_n3A_410, %add3A_412 : vector<16xi32>
      %gather3A_414 = tpu.vector_load_idx %arg14[%add3A_413] : memref<2048xf32, #tpu.memory_space<vmem>>[vector<16xi32>], vector<16xf32>,
      %le3A_415 = arith.cmpf ole, %gather3A_414, %convert_element_type3A_318 : vector<16xf32>
      %add3A_416 = arith.constant 1 : i32
      %add3A_417 = vector.broadcast %add3A_416 : i32 to vector<16xi32>
      %add3A_418 = arith.addi %select_n3A_410, %add3A_417 : vector<16xi32>
      %select_n3A_419 = arith.select %le3A_415, %add3A_418, %select_n3A_410 : vector<16xi1>, vector<16xi32>
      %mul3A_420 = arith.constant 16 : i32
      %mul3A_421 = arith.muli %scan3A_313, %mul3A_420 : i32
      %swap3A_422 = arith.index_cast %mul3A_421 : i32 to index
      %swap3A_423 = tpu.vector_load %arg13[%swap3A_422] {strides = array<i32>} : memref<512xi32, #tpu.memory_space<vmem>>, vector<16xi32>,
      tpu.vector_store %arg13[%swap3A_422], %select_n3A_419 {strides = array<i32>} : memref<512xi32, #tpu.memory_space<vmem>>, vector<16xi32>,
      %mul3A_424 = arith.constant 16 : i32
      %mul3A_425 = arith.muli %scan3A_313, %mul3A_424 : i32
      %get3A_426 = arith.index_cast %mul3A_425 : i32 to index
      %get3A_427 = tpu.vector_load %arg12[%get3A_426] {strides = array<i32>} : memref<512xf32, #tpu.memory_space<vmem>>, vector<16xf32>,
      %mul3A_428 = arith.constant 16 : i32
      %mul3A_429 = arith.muli %scan3A_313, %mul3A_428 : i32
      %add3A_430 = vector.broadcast %mul3A_429 : i32 to vector<16xi32>
      %add3A_431 = arith.addi %add3A_430, %iota3A : vector<16xi32>
      %sub3A_432 = arith.subf %get3A_427, %get3A_45 : vector<16xf32>
      %div3A_433 = arith.divf %sub3A_432, %get3A_47 : vector<16xf32>
      tpu.vector_store_idx %arg18[%add3A_431, %broadcast_in_dim3A_48], %div3A_433 : memref<512x1xf32, #tpu.memory_space<vmem>>[vector<16xi32>, vector<16xi32>], vector<16xf32>,
      %scan3A_434 = arith.constant 0 : i32
      scf.yield %scan3A_434 : i32
    }
    %scan3A_84 = arith.constant 8 : i32
    %dma_start3A_85 = arith.constant 256 : i32
    %dma_start3A_86 = arith.constant 0 : i32
    %dma_start3A_87 = tpu.memref_slice %arg17[%dma_start3A_85, %dma_start3A_86] : memref<512x32xf32, #tpu.memory_space<vmem>> -> memref<128x32xf32, #tpu.memory_space<vmem>>
    %dma_start3A_88 = arith.constant 256 : i32
    %dma_start3A_89 = tpu.memref_slice %arg13[%dma_start3A_88] : memref<512xi32, #tpu.memory_space<vmem>> -> memref<128xi32, #tpu.memory_space<vmem>>
    %dma_start3A_90 = arith.constant 0 : i32
    %dma_start3A_91 = arith.constant 0 : i32
    %dma_start3A_92 = tpu.memref_slice %arg6[%dma_start3A_90, %dma_start3A_91] : memref<2001x32xf32, #tpu.memory_space<hbm>> -> memref<2001x32xf32, #tpu.memory_space<hbm>>
    tpu.enqueue_indirect_dma source(%dma_start3A_92 : memref<2001x32xf32, #tpu.memory_space<hbm>>) target(%dma_start3A_87 : memref<128x32xf32, #tpu.memory_space<vmem>>) offsets(%dma_start3A_89 : memref<128xi32, #tpu.memory_space<vmem>>) semaphore(%arg20 : memref<!tpu.dma_semaphore, #tpu.memory_space<semaphore_mem>>)
    %scan3A_93 = arith.constant 0 : i32
    %scan3A_94 = arith.constant 24 : i32
    %scan3A_95 = arith.constant 8 : i32
    %scan3A_96 = arith.addi %scan3A_94, %scan3A_95 : i32
    %scan3A_97 = arith.constant 2 : i32
    %scan3A_98 = scf.for %scan3A_196 = %scan3A_94 to %scan3A_96 step %scan3A_97 iter_args(%scan3A_197 = %scan3A_93) -> (i32)  : i32 {
      %mul3A_198 = arith.constant 16 : i32
      %mul3A_199 = arith.muli %scan3A_196, %mul3A_198 : i32
      %get3A_200 = arith.index_cast %mul3A_199 : i32 to index
      %get3A_201 = tpu.vector_load %arg11[%get3A_200] {strides = array<i32>} : memref<512xi32, #tpu.memory_space<vmem>>, vector<16xi32>,
      %convert_element_type3A = arith.sitofp %get3A_201 : vector<16xi32> to vector<16xf32>
      %broadcast_in_dim3A_202 = arith.constant 0 : i32
      %broadcast_in_dim3A_203 = vector.broadcast %broadcast_in_dim3A_202 : i32 to vector<16xi32>
      %add3A_204 = arith.constant 1023 : i32
      %add3A_205 = vector.broadcast %add3A_204 : i32 to vector<16xi32>
      %add3A_206 = arith.addi %broadcast_in_dim3A_203, %add3A_205 : vector<16xi32>
      %gather3A = tpu.vector_load_idx %arg14[%add3A_206] : memref<2048xf32, #tpu.memory_space<vmem>>[vector<16xi32>], vector<16xf32>,
      %le3A = arith.cmpf ole, %gather3A, %convert_element_type3A : vector<16xf32>
      %add3A_207 = arith.constant 1024 : i32
      %add3A_208 = vector.broadcast %add3A_207 : i32 to vector<16xi32>
      %add3A_209 = arith.addi %broadcast_in_dim3A_203, %add3A_208 : vector<16xi32>
      %select_n3A = arith.select %le3A, %add3A_209, %broadcast_in_dim3A_203 : vector<16xi1>, vector<16xi32>
      %add3A_210 = arith.constant 511 : i32
      %add3A_211 = vector.broadcast %add3A_210 : i32 to vector<16xi32>
      %add3A_212 = arith.addi %select_n3A, %add3A_211 : vector<16xi32>
      %gather3A_213 = tpu.vector_load_idx %arg14[%add3A_212] : memref<2048xf32, #tpu.memory_space<vmem>>[vector<16xi32>], vector<16xf32>,
      %le3A_214 = arith.cmpf ole, %gather3A_213, %convert_element_type3A : vector<16xf32>
      %add3A_215 = arith.constant 512 : i32
      %add3A_216 = vector.broadcast %add3A_215 : i32 to vector<16xi32>
      %add3A_217 = arith.addi %select_n3A, %add3A_216 : vector<16xi32>
      %select_n3A_218 = arith.select %le3A_214, %add3A_217, %select_n3A : vector<16xi1>, vector<16xi32>
      %add3A_219 = arith.constant 255 : i32
      %add3A_220 = vector.broadcast %add3A_219 : i32 to vector<16xi32>
      %add3A_221 = arith.addi %select_n3A_218, %add3A_220 : vector<16xi32>
      %gather3A_222 = tpu.vector_load_idx %arg14[%add3A_221] : memref<2048xf32, #tpu.memory_space<vmem>>[vector<16xi32>], vector<16xf32>,
      %le3A_223 = arith.cmpf ole, %gather3A_222, %convert_element_type3A : vector<16xf32>
      %add3A_224 = arith.constant 256 : i32
      %add3A_225 = vector.broadcast %add3A_224 : i32 to vector<16xi32>
      %add3A_226 = arith.addi %select_n3A_218, %add3A_225 : vector<16xi32>
      %select_n3A_227 = arith.select %le3A_223, %add3A_226, %select_n3A_218 : vector<16xi1>, vector<16xi32>
      %add3A_228 = arith.constant 127 : i32
      %add3A_229 = vector.broadcast %add3A_228 : i32 to vector<16xi32>
      %add3A_230 = arith.addi %select_n3A_227, %add3A_229 : vector<16xi32>
      %gather3A_231 = tpu.vector_load_idx %arg14[%add3A_230] : memref<2048xf32, #tpu.memory_space<vmem>>[vector<16xi32>], vector<16xf32>,
      %le3A_232 = arith.cmpf ole, %gather3A_231, %convert_element_type3A : vector<16xf32>
      %add3A_233 = arith.constant 128 : i32
      %add3A_234 = vector.broadcast %add3A_233 : i32 to vector<16xi32>
      %add3A_235 = arith.addi %select_n3A_227, %add3A_234 : vector<16xi32>
      %select_n3A_236 = arith.select %le3A_232, %add3A_235, %select_n3A_227 : vector<16xi1>, vector<16xi32>
      %add3A_237 = arith.constant 63 : i32
      %add3A_238 = vector.broadcast %add3A_237 : i32 to vector<16xi32>
      %add3A_239 = arith.addi %select_n3A_236, %add3A_238 : vector<16xi32>
      %gather3A_240 = tpu.vector_load_idx %arg14[%add3A_239] : memref<2048xf32, #tpu.memory_space<vmem>>[vector<16xi32>], vector<16xf32>,
      %le3A_241 = arith.cmpf ole, %gather3A_240, %convert_element_type3A : vector<16xf32>
      %add3A_242 = arith.constant 64 : i32
      %add3A_243 = vector.broadcast %add3A_242 : i32 to vector<16xi32>
      %add3A_244 = arith.addi %select_n3A_236, %add3A_243 : vector<16xi32>
      %select_n3A_245 = arith.select %le3A_241, %add3A_244, %select_n3A_236 : vector<16xi1>, vector<16xi32>
      %add3A_246 = arith.constant 31 : i32
      %add3A_247 = vector.broadcast %add3A_246 : i32 to vector<16xi32>
      %add3A_248 = arith.addi %select_n3A_245, %add3A_247 : vector<16xi32>
      %gather3A_249 = tpu.vector_load_idx %arg14[%add3A_248] : memref<2048xf32, #tpu.memory_space<vmem>>[vector<16xi32>], vector<16xf32>,
      %le3A_250 = arith.cmpf ole, %gather3A_249, %convert_element_type3A : vector<16xf32>
      %add3A_251 = arith.constant 32 : i32
      %add3A_252 = vector.broadcast %add3A_251 : i32 to vector<16xi32>
      %add3A_253 = arith.addi %select_n3A_245, %add3A_252 : vector<16xi32>
      %select_n3A_254 = arith.select %le3A_250, %add3A_253, %select_n3A_245 : vector<16xi1>, vector<16xi32>
      %add3A_255 = arith.constant 15 : i32
      %add3A_256 = vector.broadcast %add3A_255 : i32 to vector<16xi32>
      %add3A_257 = arith.addi %select_n3A_254, %add3A_256 : vector<16xi32>
      %gather3A_258 = tpu.vector_load_idx %arg14[%add3A_257] : memref<2048xf32, #tpu.memory_space<vmem>>[vector<16xi32>], vector<16xf32>,
      %le3A_259 = arith.cmpf ole, %gather3A_258, %convert_element_type3A : vector<16xf32>
      %add3A_260 = arith.constant 16 : i32
      %add3A_261 = vector.broadcast %add3A_260 : i32 to vector<16xi32>
      %add3A_262 = arith.addi %select_n3A_254, %add3A_261 : vector<16xi32>
      %select_n3A_263 = arith.select %le3A_259, %add3A_262, %select_n3A_254 : vector<16xi1>, vector<16xi32>
      %add3A_264 = arith.constant 7 : i32
      %add3A_265 = vector.broadcast %add3A_264 : i32 to vector<16xi32>
      %add3A_266 = arith.addi %select_n3A_263, %add3A_265 : vector<16xi32>
      %gather3A_267 = tpu.vector_load_idx %arg14[%add3A_266] : memref<2048xf32, #tpu.memory_space<vmem>>[vector<16xi32>], vector<16xf32>,
      %le3A_268 = arith.cmpf ole, %gather3A_267, %convert_element_type3A : vector<16xf32>
      %add3A_269 = arith.constant 8 : i32
      %add3A_270 = vector.broadcast %add3A_269 : i32 to vector<16xi32>
      %add3A_271 = arith.addi %select_n3A_263, %add3A_270 : vector<16xi32>
      %select_n3A_272 = arith.select %le3A_268, %add3A_271, %select_n3A_263 : vector<16xi1>, vector<16xi32>
      %add3A_273 = arith.constant 3 : i32
      %add3A_274 = vector.broadcast %add3A_273 : i32 to vector<16xi32>
      %add3A_275 = arith.addi %select_n3A_272, %add3A_274 : vector<16xi32>
      %gather3A_276 = tpu.vector_load_idx %arg14[%add3A_275] : memref<2048xf32, #tpu.memory_space<vmem>>[vector<16xi32>], vector<16xf32>,
      %le3A_277 = arith.cmpf ole, %gather3A_276, %convert_element_type3A : vector<16xf32>
      %add3A_278 = arith.constant 4 : i32
      %add3A_279 = vector.broadcast %add3A_278 : i32 to vector<16xi32>
      %add3A_280 = arith.addi %select_n3A_272, %add3A_279 : vector<16xi32>
      %select_n3A_281 = arith.select %le3A_277, %add3A_280, %select_n3A_272 : vector<16xi1>, vector<16xi32>
      %add3A_282 = arith.constant 1 : i32
      %add3A_283 = vector.broadcast %add3A_282 : i32 to vector<16xi32>
      %add3A_284 = arith.addi %select_n3A_281, %add3A_283 : vector<16xi32>
      %gather3A_285 = tpu.vector_load_idx %arg14[%add3A_284] : memref<2048xf32, #tpu.memory_space<vmem>>[vector<16xi32>], vector<16xf32>,
      %le3A_286 = arith.cmpf ole, %gather3A_285, %convert_element_type3A : vector<16xf32>
      %add3A_287 = arith.constant 2 : i32
      %add3A_288 = vector.broadcast %add3A_287 : i32 to vector<16xi32>
      %add3A_289 = arith.addi %select_n3A_281, %add3A_288 : vector<16xi32>
      %select_n3A_290 = arith.select %le3A_286, %add3A_289, %select_n3A_281 : vector<16xi1>, vector<16xi32>
      %add3A_291 = arith.constant 0 : i32
      %add3A_292 = vector.broadcast %add3A_291 : i32 to vector<16xi32>
      %add3A_293 = arith.addi %select_n3A_290, %add3A_292 : vector<16xi32>
      %gather3A_294 = tpu.vector_load_idx %arg14[%add3A_293] : memref<2048xf32, #tpu.memory_space<vmem>>[vector<16xi32>], vector<16xf32>,
      %le3A_295 = arith.cmpf ole, %gather3A_294, %convert_element_type3A : vector<16xf32>
      %add3A_296 = arith.constant 1 : i32
      %add3A_297 = vector.broadcast %add3A_296 : i32 to vector<16xi32>
      %add3A_298 = arith.addi %select_n3A_290, %add3A_297 : vector<16xi32>
      %select_n3A_299 = arith.select %le3A_295, %add3A_298, %select_n3A_290 : vector<16xi1>, vector<16xi32>
      %mul3A_300 = arith.constant 16 : i32
      %mul3A_301 = arith.muli %scan3A_196, %mul3A_300 : i32
      %swap3A = arith.index_cast %mul3A_301 : i32 to index
      %swap3A_302 = tpu.vector_load %arg13[%swap3A] {strides = array<i32>} : memref<512xi32, #tpu.memory_space<vmem>>, vector<16xi32>,
      tpu.vector_store %arg13[%swap3A], %select_n3A_299 {strides = array<i32>} : memref<512xi32, #tpu.memory_space<vmem>>, vector<16xi32>,
      %mul3A_303 = arith.constant 16 : i32
      %mul3A_304 = arith.muli %scan3A_196, %mul3A_303 : i32
      %get3A_305 = arith.index_cast %mul3A_304 : i32 to index
      %get3A_306 = tpu.vector_load %arg12[%get3A_305] {strides = array<i32>} : memref<512xf32, #tpu.memory_space<vmem>>, vector<16xf32>,
      %mul3A_307 = arith.constant 16 : i32
      %mul3A_308 = arith.muli %scan3A_196, %mul3A_307 : i32
      %add3A_309 = vector.broadcast %mul3A_308 : i32 to vector<16xi32>
      %add3A_310 = arith.addi %add3A_309, %iota3A : vector<16xi32>
      %sub3A = arith.subf %get3A_306, %get3A_45 : vector<16xf32>
      %div3A = arith.divf %sub3A, %get3A_47 : vector<16xf32>
      tpu.vector_store_idx %arg18[%add3A_310, %broadcast_in_dim3A_48], %div3A : memref<512x1xf32, #tpu.memory_space<vmem>>[vector<16xi32>, vector<16xi32>], vector<16xf32>,
      %scan3A_311 = arith.constant 0 : i32
      %scan3A_312 = arith.constant 1 : i32
      %scan3A_313 = arith.addi %scan3A_196, %scan3A_312 : i32
      %mul3A_314 = arith.constant 16 : i32
      %mul3A_315 = arith.muli %scan3A_313, %mul3A_314 : i32
      %get3A_316 = arith.index_cast %mul3A_315 : i32 to index
      %get3A_317 = tpu.vector_load %arg11[%get3A_316] {strides = array<i32>} : memref<512xi32, #tpu.memory_space<vmem>>, vector<16xi32>,
      %convert_element_type3A_318 = arith.sitofp %get3A_317 : vector<16xi32> to vector<16xf32>
      %broadcast_in_dim3A_319 = arith.constant 0 : i32
      %broadcast_in_dim3A_320 = vector.broadcast %broadcast_in_dim3A_319 : i32 to vector<16xi32>
      %add3A_321 = arith.constant 1023 : i32
      %add3A_322 = vector.broadcast %add3A_321 : i32 to vector<16xi32>
      %add3A_323 = arith.addi %broadcast_in_dim3A_320, %add3A_322 : vector<16xi32>
      %gather3A_324 = tpu.vector_load_idx %arg14[%add3A_323] : memref<2048xf32, #tpu.memory_space<vmem>>[vector<16xi32>], vector<16xf32>,
      %le3A_325 = arith.cmpf ole, %gather3A_324, %convert_element_type3A_318 : vector<16xf32>
      %add3A_326 = arith.constant 1024 : i32
      %add3A_327 = vector.broadcast %add3A_326 : i32 to vector<16xi32>
      %add3A_328 = arith.addi %broadcast_in_dim3A_320, %add3A_327 : vector<16xi32>
      %select_n3A_329 = arith.select %le3A_325, %add3A_328, %broadcast_in_dim3A_320 : vector<16xi1>, vector<16xi32>
      %add3A_330 = arith.constant 511 : i32
      %add3A_331 = vector.broadcast %add3A_330 : i32 to vector<16xi32>
      %add3A_332 = arith.addi %select_n3A_329, %add3A_331 : vector<16xi32>
      %gather3A_333 = tpu.vector_load_idx %arg14[%add3A_332] : memref<2048xf32, #tpu.memory_space<vmem>>[vector<16xi32>], vector<16xf32>,
      %le3A_334 = arith.cmpf ole, %gather3A_333, %convert_element_type3A_318 : vector<16xf32>
      %add3A_335 = arith.constant 512 : i32
      %add3A_336 = vector.broadcast %add3A_335 : i32 to vector<16xi32>
      %add3A_337 = arith.addi %select_n3A_329, %add3A_336 : vector<16xi32>
      %select_n3A_338 = arith.select %le3A_334, %add3A_337, %select_n3A_329 : vector<16xi1>, vector<16xi32>
      %add3A_339 = arith.constant 255 : i32
      %add3A_340 = vector.broadcast %add3A_339 : i32 to vector<16xi32>
      %add3A_341 = arith.addi %select_n3A_338, %add3A_340 : vector<16xi32>
      %gather3A_342 = tpu.vector_load_idx %arg14[%add3A_341] : memref<2048xf32, #tpu.memory_space<vmem>>[vector<16xi32>], vector<16xf32>,
      %le3A_343 = arith.cmpf ole, %gather3A_342, %convert_element_type3A_318 : vector<16xf32>
      %add3A_344 = arith.constant 256 : i32
      %add3A_345 = vector.broadcast %add3A_344 : i32 to vector<16xi32>
      %add3A_346 = arith.addi %select_n3A_338, %add3A_345 : vector<16xi32>
      %select_n3A_347 = arith.select %le3A_343, %add3A_346, %select_n3A_338 : vector<16xi1>, vector<16xi32>
      %add3A_348 = arith.constant 127 : i32
      %add3A_349 = vector.broadcast %add3A_348 : i32 to vector<16xi32>
      %add3A_350 = arith.addi %select_n3A_347, %add3A_349 : vector<16xi32>
      %gather3A_351 = tpu.vector_load_idx %arg14[%add3A_350] : memref<2048xf32, #tpu.memory_space<vmem>>[vector<16xi32>], vector<16xf32>,
      %le3A_352 = arith.cmpf ole, %gather3A_351, %convert_element_type3A_318 : vector<16xf32>
      %add3A_353 = arith.constant 128 : i32
      %add3A_354 = vector.broadcast %add3A_353 : i32 to vector<16xi32>
      %add3A_355 = arith.addi %select_n3A_347, %add3A_354 : vector<16xi32>
      %select_n3A_356 = arith.select %le3A_352, %add3A_355, %select_n3A_347 : vector<16xi1>, vector<16xi32>
      %add3A_357 = arith.constant 63 : i32
      %add3A_358 = vector.broadcast %add3A_357 : i32 to vector<16xi32>
      %add3A_359 = arith.addi %select_n3A_356, %add3A_358 : vector<16xi32>
      %gather3A_360 = tpu.vector_load_idx %arg14[%add3A_359] : memref<2048xf32, #tpu.memory_space<vmem>>[vector<16xi32>], vector<16xf32>,
      %le3A_361 = arith.cmpf ole, %gather3A_360, %convert_element_type3A_318 : vector<16xf32>
      %add3A_362 = arith.constant 64 : i32
      %add3A_363 = vector.broadcast %add3A_362 : i32 to vector<16xi32>
      %add3A_364 = arith.addi %select_n3A_356, %add3A_363 : vector<16xi32>
      %select_n3A_365 = arith.select %le3A_361, %add3A_364, %select_n3A_356 : vector<16xi1>, vector<16xi32>
      %add3A_366 = arith.constant 31 : i32
      %add3A_367 = vector.broadcast %add3A_366 : i32 to vector<16xi32>
      %add3A_368 = arith.addi %select_n3A_365, %add3A_367 : vector<16xi32>
      %gather3A_369 = tpu.vector_load_idx %arg14[%add3A_368] : memref<2048xf32, #tpu.memory_space<vmem>>[vector<16xi32>], vector<16xf32>,
      %le3A_370 = arith.cmpf ole, %gather3A_369, %convert_element_type3A_318 : vector<16xf32>
      %add3A_371 = arith.constant 32 : i32
      %add3A_372 = vector.broadcast %add3A_371 : i32 to vector<16xi32>
      %add3A_373 = arith.addi %select_n3A_365, %add3A_372 : vector<16xi32>
      %select_n3A_374 = arith.select %le3A_370, %add3A_373, %select_n3A_365 : vector<16xi1>, vector<16xi32>
      %add3A_375 = arith.constant 15 : i32
      %add3A_376 = vector.broadcast %add3A_375 : i32 to vector<16xi32>
      %add3A_377 = arith.addi %select_n3A_374, %add3A_376 : vector<16xi32>
      %gather3A_378 = tpu.vector_load_idx %arg14[%add3A_377] : memref<2048xf32, #tpu.memory_space<vmem>>[vector<16xi32>], vector<16xf32>,
      %le3A_379 = arith.cmpf ole, %gather3A_378, %convert_element_type3A_318 : vector<16xf32>
      %add3A_380 = arith.constant 16 : i32
      %add3A_381 = vector.broadcast %add3A_380 : i32 to vector<16xi32>
      %add3A_382 = arith.addi %select_n3A_374, %add3A_381 : vector<16xi32>
      %select_n3A_383 = arith.select %le3A_379, %add3A_382, %select_n3A_374 : vector<16xi1>, vector<16xi32>
      %add3A_384 = arith.constant 7 : i32
      %add3A_385 = vector.broadcast %add3A_384 : i32 to vector<16xi32>
      %add3A_386 = arith.addi %select_n3A_383, %add3A_385 : vector<16xi32>
      %gather3A_387 = tpu.vector_load_idx %arg14[%add3A_386] : memref<2048xf32, #tpu.memory_space<vmem>>[vector<16xi32>], vector<16xf32>,
      %le3A_388 = arith.cmpf ole, %gather3A_387, %convert_element_type3A_318 : vector<16xf32>
      %add3A_389 = arith.constant 8 : i32
      %add3A_390 = vector.broadcast %add3A_389 : i32 to vector<16xi32>
      %add3A_391 = arith.addi %select_n3A_383, %add3A_390 : vector<16xi32>
      %select_n3A_392 = arith.select %le3A_388, %add3A_391, %select_n3A_383 : vector<16xi1>, vector<16xi32>
      %add3A_393 = arith.constant 3 : i32
      %add3A_394 = vector.broadcast %add3A_393 : i32 to vector<16xi32>
      %add3A_395 = arith.addi %select_n3A_392, %add3A_394 : vector<16xi32>
      %gather3A_396 = tpu.vector_load_idx %arg14[%add3A_395] : memref<2048xf32, #tpu.memory_space<vmem>>[vector<16xi32>], vector<16xf32>,
      %le3A_397 = arith.cmpf ole, %gather3A_396, %convert_element_type3A_318 : vector<16xf32>
      %add3A_398 = arith.constant 4 : i32
      %add3A_399 = vector.broadcast %add3A_398 : i32 to vector<16xi32>
      %add3A_400 = arith.addi %select_n3A_392, %add3A_399 : vector<16xi32>
      %select_n3A_401 = arith.select %le3A_397, %add3A_400, %select_n3A_392 : vector<16xi1>, vector<16xi32>
      %add3A_402 = arith.constant 1 : i32
      %add3A_403 = vector.broadcast %add3A_402 : i32 to vector<16xi32>
      %add3A_404 = arith.addi %select_n3A_401, %add3A_403 : vector<16xi32>
      %gather3A_405 = tpu.vector_load_idx %arg14[%add3A_404] : memref<2048xf32, #tpu.memory_space<vmem>>[vector<16xi32>], vector<16xf32>,
      %le3A_406 = arith.cmpf ole, %gather3A_405, %convert_element_type3A_318 : vector<16xf32>
      %add3A_407 = arith.constant 2 : i32
      %add3A_408 = vector.broadcast %add3A_407 : i32 to vector<16xi32>
      %add3A_409 = arith.addi %select_n3A_401, %add3A_408 : vector<16xi32>
      %select_n3A_410 = arith.select %le3A_406, %add3A_409, %select_n3A_401 : vector<16xi1>, vector<16xi32>
      %add3A_411 = arith.constant 0 : i32
      %add3A_412 = vector.broadcast %add3A_411 : i32 to vector<16xi32>
      %add3A_413 = arith.addi %select_n3A_410, %add3A_412 : vector<16xi32>
      %gather3A_414 = tpu.vector_load_idx %arg14[%add3A_413] : memref<2048xf32, #tpu.memory_space<vmem>>[vector<16xi32>], vector<16xf32>,
      %le3A_415 = arith.cmpf ole, %gather3A_414, %convert_element_type3A_318 : vector<16xf32>
      %add3A_416 = arith.constant 1 : i32
      %add3A_417 = vector.broadcast %add3A_416 : i32 to vector<16xi32>
      %add3A_418 = arith.addi %select_n3A_410, %add3A_417 : vector<16xi32>
      %select_n3A_419 = arith.select %le3A_415, %add3A_418, %select_n3A_410 : vector<16xi1>, vector<16xi32>
      %mul3A_420 = arith.constant 16 : i32
      %mul3A_421 = arith.muli %scan3A_313, %mul3A_420 : i32
      %swap3A_422 = arith.index_cast %mul3A_421 : i32 to index
      %swap3A_423 = tpu.vector_load %arg13[%swap3A_422] {strides = array<i32>} : memref<512xi32, #tpu.memory_space<vmem>>, vector<16xi32>,
      tpu.vector_store %arg13[%swap3A_422], %select_n3A_419 {strides = array<i32>} : memref<512xi32, #tpu.memory_space<vmem>>, vector<16xi32>,
      %mul3A_424 = arith.constant 16 : i32
      %mul3A_425 = arith.muli %scan3A_313, %mul3A_424 : i32
      %get3A_426 = arith.index_cast %mul3A_425 : i32 to index
      %get3A_427 = tpu.vector_load %arg12[%get3A_426] {strides = array<i32>} : memref<512xf32, #tpu.memory_space<vmem>>, vector<16xf32>,
      %mul3A_428 = arith.constant 16 : i32
      %mul3A_429 = arith.muli %scan3A_313, %mul3A_428 : i32
      %add3A_430 = vector.broadcast %mul3A_429 : i32 to vector<16xi32>
      %add3A_431 = arith.addi %add3A_430, %iota3A : vector<16xi32>
      %sub3A_432 = arith.subf %get3A_427, %get3A_45 : vector<16xf32>
      %div3A_433 = arith.divf %sub3A_432, %get3A_47 : vector<16xf32>
      tpu.vector_store_idx %arg18[%add3A_431, %broadcast_in_dim3A_48], %div3A_433 : memref<512x1xf32, #tpu.memory_space<vmem>>[vector<16xi32>, vector<16xi32>], vector<16xf32>,
      %scan3A_434 = arith.constant 0 : i32
      scf.yield %scan3A_434 : i32
    }
    %scan3A_99 = arith.constant 8 : i32
    %dma_start3A_100 = arith.constant 384 : i32
    %dma_start3A_101 = arith.constant 0 : i32
    %dma_start3A_102 = tpu.memref_slice %arg17[%dma_start3A_100, %dma_start3A_101] : memref<512x32xf32, #tpu.memory_space<vmem>> -> memref<128x32xf32, #tpu.memory_space<vmem>>
    %dma_start3A_103 = arith.constant 384 : i32
    %dma_start3A_104 = tpu.memref_slice %arg13[%dma_start3A_103] : memref<512xi32, #tpu.memory_space<vmem>> -> memref<128xi32, #tpu.memory_space<vmem>>
    %dma_start3A_105 = arith.constant 0 : i32
    %dma_start3A_106 = arith.constant 0 : i32
    %dma_start3A_107 = tpu.memref_slice %arg6[%dma_start3A_105, %dma_start3A_106] : memref<2001x32xf32, #tpu.memory_space<hbm>> -> memref<2001x32xf32, #tpu.memory_space<hbm>>
    tpu.enqueue_indirect_dma source(%dma_start3A_107 : memref<2001x32xf32, #tpu.memory_space<hbm>>) target(%dma_start3A_102 : memref<128x32xf32, #tpu.memory_space<vmem>>) offsets(%dma_start3A_104 : memref<128xi32, #tpu.memory_space<vmem>>) semaphore(%arg20 : memref<!tpu.dma_semaphore, #tpu.memory_space<semaphore_mem>>)
    %dma_start3A_108 = arith.constant 64 : i32
    %dma_start3A_109 = tpu.memref_slice %arg9[%mul3A_2, %dma_start3A_108] : memref<16384x65xf32, #tpu.memory_space<hbm>> -> memref<512x1xf32, #tpu.memory_space<hbm>>
    %dma_start3A_110 = arith.constant 64 : i32
    %dma_start3A_111 = tpu.memref_slice %arg9[%mul3A_2, %dma_start3A_110] : memref<16384x65xf32, #tpu.memory_space<hbm>> -> memref<512x1xf32, #tpu.memory_space<hbm>>
    tpu.enqueue_dma source(%arg18 : memref<512x1xf32, #tpu.memory_space<vmem>>) target(%dma_start3A_111 : memref<512x1xf32, #tpu.memory_space<hbm>>) target_semaphore(%arg21 : memref<!tpu.dma_semaphore, #tpu.memory_space<semaphore_mem>>)
    %dma_wait3A_112 = arith.constant 0 : i32
    %dma_wait3A_113 = arith.constant 0 : i32
    %dma_wait3A_114 = tpu.memref_slice %arg16[%dma_wait3A_112, %dma_wait3A_113] : memref<512x32xf32, #tpu.memory_space<vmem>> -> memref<128x32xf32, #tpu.memory_space<vmem>>
    %dma_wait3A_115 = arith.constant 0 : i32
    %dma_wait3A_116 = tpu.memref_slice %arg10[%dma_wait3A_115] : memref<512xi32, #tpu.memory_space<vmem>> -> memref<128xi32, #tpu.memory_space<vmem>>
    %dma_wait3A_117 = arith.constant 0 : i32
    %dma_wait3A_118 = arith.constant 0 : i32
    %dma_wait3A_119 = tpu.memref_slice %arg5[%dma_wait3A_117, %dma_wait3A_118] : memref<100001x32xf32, #tpu.memory_space<hbm>> -> memref<100001x32xf32, #tpu.memory_space<hbm>>
    tpu.wait_indirect_dma semaphore(%arg20 : memref<!tpu.dma_semaphore, #tpu.memory_space<semaphore_mem>>) src(%dma_wait3A_119 : memref<100001x32xf32, #tpu.memory_space<hbm>>) dst(%dma_wait3A_114 : memref<128x32xf32, #tpu.memory_space<vmem>>)
    %dma_wait3A_120 = arith.constant 128 : i32
    %dma_wait3A_121 = arith.constant 0 : i32
    %dma_wait3A_122 = tpu.memref_slice %arg16[%dma_wait3A_120, %dma_wait3A_121] : memref<512x32xf32, #tpu.memory_space<vmem>> -> memref<128x32xf32, #tpu.memory_space<vmem>>
    %dma_wait3A_123 = arith.constant 128 : i32
    %dma_wait3A_124 = tpu.memref_slice %arg10[%dma_wait3A_123] : memref<512xi32, #tpu.memory_space<vmem>> -> memref<128xi32, #tpu.memory_space<vmem>>
    %dma_wait3A_125 = arith.constant 0 : i32
    %dma_wait3A_126 = arith.constant 0 : i32
    %dma_wait3A_127 = tpu.memref_slice %arg5[%dma_wait3A_125, %dma_wait3A_126] : memref<100001x32xf32, #tpu.memory_space<hbm>> -> memref<100001x32xf32, #tpu.memory_space<hbm>>
    tpu.wait_indirect_dma semaphore(%arg20 : memref<!tpu.dma_semaphore, #tpu.memory_space<semaphore_mem>>) src(%dma_wait3A_127 : memref<100001x32xf32, #tpu.memory_space<hbm>>) dst(%dma_wait3A_122 : memref<128x32xf32, #tpu.memory_space<vmem>>)
    %dma_wait3A_128 = arith.constant 256 : i32
    %dma_wait3A_129 = arith.constant 0 : i32
    %dma_wait3A_130 = tpu.memref_slice %arg16[%dma_wait3A_128, %dma_wait3A_129] : memref<512x32xf32, #tpu.memory_space<vmem>> -> memref<128x32xf32, #tpu.memory_space<vmem>>
    %dma_wait3A_131 = arith.constant 256 : i32
    %dma_wait3A_132 = tpu.memref_slice %arg10[%dma_wait3A_131] : memref<512xi32, #tpu.memory_space<vmem>> -> memref<128xi32, #tpu.memory_space<vmem>>
    %dma_wait3A_133 = arith.constant 0 : i32
    %dma_wait3A_134 = arith.constant 0 : i32
    %dma_wait3A_135 = tpu.memref_slice %arg5[%dma_wait3A_133, %dma_wait3A_134] : memref<100001x32xf32, #tpu.memory_space<hbm>> -> memref<100001x32xf32, #tpu.memory_space<hbm>>
    tpu.wait_indirect_dma semaphore(%arg20 : memref<!tpu.dma_semaphore, #tpu.memory_space<semaphore_mem>>) src(%dma_wait3A_135 : memref<100001x32xf32, #tpu.memory_space<hbm>>) dst(%dma_wait3A_130 : memref<128x32xf32, #tpu.memory_space<vmem>>)
    %dma_wait3A_136 = arith.constant 384 : i32
    %dma_wait3A_137 = arith.constant 0 : i32
    %dma_wait3A_138 = tpu.memref_slice %arg16[%dma_wait3A_136, %dma_wait3A_137] : memref<512x32xf32, #tpu.memory_space<vmem>> -> memref<128x32xf32, #tpu.memory_space<vmem>>
    %dma_wait3A_139 = arith.constant 384 : i32
    %dma_wait3A_140 = tpu.memref_slice %arg10[%dma_wait3A_139] : memref<512xi32, #tpu.memory_space<vmem>> -> memref<128xi32, #tpu.memory_space<vmem>>
    %dma_wait3A_141 = arith.constant 0 : i32
    %dma_wait3A_142 = arith.constant 0 : i32
    %dma_wait3A_143 = tpu.memref_slice %arg5[%dma_wait3A_141, %dma_wait3A_142] : memref<100001x32xf32, #tpu.memory_space<hbm>> -> memref<100001x32xf32, #tpu.memory_space<hbm>>
    tpu.wait_indirect_dma semaphore(%arg20 : memref<!tpu.dma_semaphore, #tpu.memory_space<semaphore_mem>>) src(%dma_wait3A_143 : memref<100001x32xf32, #tpu.memory_space<hbm>>) dst(%dma_wait3A_138 : memref<128x32xf32, #tpu.memory_space<vmem>>)
    %dma_start3A_144 = arith.constant 0 : i32
    %dma_start3A_145 = tpu.memref_slice %arg9[%mul3A_2, %dma_start3A_144] : memref<16384x65xf32, #tpu.memory_space<hbm>> -> memref<512x32xf32, #tpu.memory_space<hbm>>
    %dma_start3A_146 = arith.constant 0 : i32
    %dma_start3A_147 = tpu.memref_slice %arg9[%mul3A_2, %dma_start3A_146] : memref<16384x65xf32, #tpu.memory_space<hbm>> -> memref<512x32xf32, #tpu.memory_space<hbm>>
    tpu.enqueue_dma source(%arg16 : memref<512x32xf32, #tpu.memory_space<vmem>>) target(%dma_start3A_147 : memref<512x32xf32, #tpu.memory_space<hbm>>) target_semaphore(%arg21 : memref<!tpu.dma_semaphore, #tpu.memory_space<semaphore_mem>>)
    %dma_wait3A_148 = arith.constant 0 : i32
    %dma_wait3A_149 = arith.constant 0 : i32
    %dma_wait3A_150 = tpu.memref_slice %arg17[%dma_wait3A_148, %dma_wait3A_149] : memref<512x32xf32, #tpu.memory_space<vmem>> -> memref<128x32xf32, #tpu.memory_space<vmem>>
    %dma_wait3A_151 = arith.constant 0 : i32
    %dma_wait3A_152 = tpu.memref_slice %arg13[%dma_wait3A_151] : memref<512xi32, #tpu.memory_space<vmem>> -> memref<128xi32, #tpu.memory_space<vmem>>
    %dma_wait3A_153 = arith.constant 0 : i32
    %dma_wait3A_154 = arith.constant 0 : i32
    %dma_wait3A_155 = tpu.memref_slice %arg6[%dma_wait3A_153, %dma_wait3A_154] : memref<2001x32xf32, #tpu.memory_space<hbm>> -> memref<2001x32xf32, #tpu.memory_space<hbm>>
    tpu.wait_indirect_dma semaphore(%arg20 : memref<!tpu.dma_semaphore, #tpu.memory_space<semaphore_mem>>) src(%dma_wait3A_155 : memref<2001x32xf32, #tpu.memory_space<hbm>>) dst(%dma_wait3A_150 : memref<128x32xf32, #tpu.memory_space<vmem>>)
    %dma_wait3A_156 = arith.constant 128 : i32
    %dma_wait3A_157 = arith.constant 0 : i32
    %dma_wait3A_158 = tpu.memref_slice %arg17[%dma_wait3A_156, %dma_wait3A_157] : memref<512x32xf32, #tpu.memory_space<vmem>> -> memref<128x32xf32, #tpu.memory_space<vmem>>
    %dma_wait3A_159 = arith.constant 128 : i32
    %dma_wait3A_160 = tpu.memref_slice %arg13[%dma_wait3A_159] : memref<512xi32, #tpu.memory_space<vmem>> -> memref<128xi32, #tpu.memory_space<vmem>>
    %dma_wait3A_161 = arith.constant 0 : i32
    %dma_wait3A_162 = arith.constant 0 : i32
    %dma_wait3A_163 = tpu.memref_slice %arg6[%dma_wait3A_161, %dma_wait3A_162] : memref<2001x32xf32, #tpu.memory_space<hbm>> -> memref<2001x32xf32, #tpu.memory_space<hbm>>
    tpu.wait_indirect_dma semaphore(%arg20 : memref<!tpu.dma_semaphore, #tpu.memory_space<semaphore_mem>>) src(%dma_wait3A_163 : memref<2001x32xf32, #tpu.memory_space<hbm>>) dst(%dma_wait3A_158 : memref<128x32xf32, #tpu.memory_space<vmem>>)
    %dma_wait3A_164 = arith.constant 256 : i32
    %dma_wait3A_165 = arith.constant 0 : i32
    %dma_wait3A_166 = tpu.memref_slice %arg17[%dma_wait3A_164, %dma_wait3A_165] : memref<512x32xf32, #tpu.memory_space<vmem>> -> memref<128x32xf32, #tpu.memory_space<vmem>>
    %dma_wait3A_167 = arith.constant 256 : i32
    %dma_wait3A_168 = tpu.memref_slice %arg13[%dma_wait3A_167] : memref<512xi32, #tpu.memory_space<vmem>> -> memref<128xi32, #tpu.memory_space<vmem>>
    %dma_wait3A_169 = arith.constant 0 : i32
    %dma_wait3A_170 = arith.constant 0 : i32
    %dma_wait3A_171 = tpu.memref_slice %arg6[%dma_wait3A_169, %dma_wait3A_170] : memref<2001x32xf32, #tpu.memory_space<hbm>> -> memref<2001x32xf32, #tpu.memory_space<hbm>>
    tpu.wait_indirect_dma semaphore(%arg20 : memref<!tpu.dma_semaphore, #tpu.memory_space<semaphore_mem>>) src(%dma_wait3A_171 : memref<2001x32xf32, #tpu.memory_space<hbm>>) dst(%dma_wait3A_166 : memref<128x32xf32, #tpu.memory_space<vmem>>)
    %dma_wait3A_172 = arith.constant 384 : i32
    %dma_wait3A_173 = arith.constant 0 : i32
    %dma_wait3A_174 = tpu.memref_slice %arg17[%dma_wait3A_172, %dma_wait3A_173] : memref<512x32xf32, #tpu.memory_space<vmem>> -> memref<128x32xf32, #tpu.memory_space<vmem>>
    %dma_wait3A_175 = arith.constant 384 : i32
    %dma_wait3A_176 = tpu.memref_slice %arg13[%dma_wait3A_175] : memref<512xi32, #tpu.memory_space<vmem>> -> memref<128xi32, #tpu.memory_space<vmem>>
    %dma_wait3A_177 = arith.constant 0 : i32
    %dma_wait3A_178 = arith.constant 0 : i32
    %dma_wait3A_179 = tpu.memref_slice %arg6[%dma_wait3A_177, %dma_wait3A_178] : memref<2001x32xf32, #tpu.memory_space<hbm>> -> memref<2001x32xf32, #tpu.memory_space<hbm>>
    tpu.wait_indirect_dma semaphore(%arg20 : memref<!tpu.dma_semaphore, #tpu.memory_space<semaphore_mem>>) src(%dma_wait3A_179 : memref<2001x32xf32, #tpu.memory_space<hbm>>) dst(%dma_wait3A_174 : memref<128x32xf32, #tpu.memory_space<vmem>>)
    %dma_start3A_180 = arith.constant 32 : i32
    %dma_start3A_181 = tpu.memref_slice %arg9[%mul3A_2, %dma_start3A_180] : memref<16384x65xf32, #tpu.memory_space<hbm>> -> memref<512x32xf32, #tpu.memory_space<hbm>>
    %dma_start3A_182 = arith.constant 32 : i32
    %dma_start3A_183 = tpu.memref_slice %arg9[%mul3A_2, %dma_start3A_182] : memref<16384x65xf32, #tpu.memory_space<hbm>> -> memref<512x32xf32, #tpu.memory_space<hbm>>
    tpu.enqueue_dma source(%arg17 : memref<512x32xf32, #tpu.memory_space<vmem>>) target(%dma_start3A_183 : memref<512x32xf32, #tpu.memory_space<hbm>>) target_semaphore(%arg21 : memref<!tpu.dma_semaphore, #tpu.memory_space<semaphore_mem>>)
    %dma_wait3A_184 = arith.constant 64 : i32
    %dma_wait3A_185 = tpu.memref_slice %arg9[%mul3A_2, %dma_wait3A_184] : memref<16384x65xf32, #tpu.memory_space<hbm>> -> memref<512x1xf32, #tpu.memory_space<hbm>>
    %dma_wait3A_186 = arith.constant 64 : i32
    %dma_wait3A_187 = tpu.memref_slice %arg9[%mul3A_2, %dma_wait3A_186] : memref<16384x65xf32, #tpu.memory_space<hbm>> -> memref<512x1xf32, #tpu.memory_space<hbm>>
    tpu.wait_dma2 semaphore(%arg21 : memref<!tpu.dma_semaphore, #tpu.memory_space<semaphore_mem>>) src(%arg18 : memref<512x1xf32, #tpu.memory_space<vmem>>) dst(%dma_wait3A_187 : memref<512x1xf32, #tpu.memory_space<hbm>>)
    %dma_wait3A_188 = arith.constant 0 : i32
    %dma_wait3A_189 = tpu.memref_slice %arg9[%mul3A_2, %dma_wait3A_188] : memref<16384x65xf32, #tpu.memory_space<hbm>> -> memref<512x32xf32, #tpu.memory_space<hbm>>
    %dma_wait3A_190 = arith.constant 0 : i32
    %dma_wait3A_191 = tpu.memref_slice %arg9[%mul3A_2, %dma_wait3A_190] : memref<16384x65xf32, #tpu.memory_space<hbm>> -> memref<512x32xf32, #tpu.memory_space<hbm>>
    tpu.wait_dma2 semaphore(%arg21 : memref<!tpu.dma_semaphore, #tpu.memory_space<semaphore_mem>>) src(%arg16 : memref<512x32xf32, #tpu.memory_space<vmem>>) dst(%dma_wait3A_191 : memref<512x32xf32, #tpu.memory_space<hbm>>)
    %dma_wait3A_192 = arith.constant 32 : i32
    %dma_wait3A_193 = tpu.memref_slice %arg9[%mul3A_2, %dma_wait3A_192] : memref<16384x65xf32, #tpu.memory_space<hbm>> -> memref<512x32xf32, #tpu.memory_space<hbm>>
    %dma_wait3A_194 = arith.constant 32 : i32
    %dma_wait3A_195 = tpu.memref_slice %arg9[%mul3A_2, %dma_wait3A_194] : memref<16384x65xf32, #tpu.memory_space<hbm>> -> memref<512x32xf32, #tpu.memory_space<hbm>>
    tpu.wait_dma2 semaphore(%arg21 : memref<!tpu.dma_semaphore, #tpu.memory_space<semaphore_mem>>) src(%arg17 : memref<512x32xf32, #tpu.memory_space<vmem>>) dst(%dma_wait3A_195 : memref<512x32xf32, #tpu.memory_space<hbm>>)
    return
  }
}

</mosaic_0001>

<sc_bundles>
// kernel: _run.3.cloned.1.call-start
scs
__scs_entry_jumppad:
0x0: {  	(pc) =	sbr.rel $0x88, $3  }
0x1: {  	(tag) =	ssettag $0x0;
	lr =	simm.s32 $0x1  }
0x2: {  	[smem:$0x3F9A] =	sst lr;
	_ =	strace $0xD0000000  }
0x3: {  	_ = 	snop  }
0x4: {  	_ = 	snop  }
0x5: {  	_ = 	snop  }
0x6: {  	_ = 	snop  }
0x7: {  	_ = 	snop  }
__scs_overlays_trampoline_lowered:
0x8: {  	[smem:$0x3FA9] =	sst s0  }
0x9: {  	[smem:$0x3FAA] =	sst s1  }
0xa: {  	[smem:$0x3FAB] =	sst s2  }
0xb: {  	[smem:$0x3FAC] =	sst s3  }
0xc: {  	[smem:$0x3FAD] =	sst s4  }
0xd: {  	[smem:$0x3FAE] =	sst s5  }
0xe: {  	[smem:$0x3FAF] =	sst s6  }
0xf: {  	[smem:$0x3FB0] =	sst s7  }
0x10: {  	[smem:$0x3FB1] =	sst s8  }
0x11: {  	[smem:$0x3FB2] =	sst s9;
	s0 =	simm.s32 @!p0 $0x0  }
0x12: {  	s1 =	sld [smem:$0x3F98];
	s0 =	simm.s32 @p0 $0x1  }
0x13: {  	[smem:$0x3FB3] =	sst s0;
	s0 =	simm.s32 @!p1 $0x0  }
0x14: {  	s2 =	sld [smem:$0x3F97];
	s0 =	simm.s32 @p1 $0x1  }
0x15: {  	[smem:$0x3FB4] =	sst s0;
	s0 =	simm.s32 @!p2 $0x0  }
0x16: {  	s3 =	sld [smem:$0x3FDB];
	s0 =	simm.s32 @p2 $0x1  }
0x17: {  	s4 =	simm.s32 $0x1BF5;
	[smem:$0x3FB6] =	sst s0  }
0x18: {  	s0 =	sld [smem:$0x3F99];
	_ =	swait.ge [sflag:s4], $0x0  }
0x19: {  	s7 =	sld [smem:$0x3F9A]  }
0x1a: {  	s8 =	sadd.s32 $0xFFFFE003, lr  }
0x1b: {  	s9 =	sadd.s32 $0xFFFFFEF7, lr;
	s5 =	simm.s32 $0xFFFFFFFF;
	p2 =	slt.u32 s8, $0xFFFFF086  }
0x1c: {  	p1 =	slt.u32 s9, $0xF7A;
	s5 =	simm.s32 @!p2 $0x0  }
0x1d: {  	s5 =	simm.s32 @p1 $0x1;
	p0 =	seq.s32 s7, s2  }
0x1e: {  	s7 =	smul.u32 @!p0 $0xF7A, s2;
	p2 =	seq.s32 @!p0 s5, $0x0  }
0x1f: {  	s9 =	smul.u32 $0xF7A, s1;
	s8 =	simm.s32 @!p0 $0x1BF5;
	p2 =	por !p2, p0  }
0x20: {  	[sflag:s8] =	ssyncset.s32 @!p0 $0xFFFFF086;
	s6 =	sadd.s32 @!p0 s3, s7;
	s7 =	simm.s32 @!p0 $0x108  }
0x21: {  	s3 =	sadd.s32 s3, s9;
	s6 =	sadd.s32 @!p0 $0x88, s6;
	s7 =	simm.s32 @p2 $0x1082  }
0x22: {  	[simem:s7], [sflag:s8] =	dma.local @!p0 [hbm:s6], $0xF7A  }
0x23: {  	s9 =	sor.u32 $0xD0000000, s2;
	s6 =	simm.s32 $0x108;
	_ =	swait.ge @!p0 [sflag:s8], $0x0  }
0x24: {  	s3 =	sadd.s32 $0x88, s3;
	s6 =	simm.s32 @!p1 $0x1082;
	[sflag:s4] =	ssyncset.s32 $0xFFFFF086  }
0x25: {  	[simem:s6], [sflag:s4] =	dma.local [hbm:s3], $0xF7A  }
0x26: {  	[smem:$0x3F9A] =	sst s1;
	(tag) =	ssettag s2;
	_ =	strace s9  }
0x27: {  	s1 =	sld [smem:$0x3FAA]  }
0x28: {  	s2 =	sld [smem:$0x3FAB]  }
0x29: {  	s4 =	sld [smem:$0x3FAD]  }
0x2a: {  	p0 =	seq.s32 s5, $0x0;
	s5 =	sld [smem:$0x3FAE]  }
0x2b: {  	s6 =	sld [smem:$0x3FAF]  }
0x2c: {  	s7 =	sld [smem:$0x3FB0]  }
0x2d: {  	s3 =	simm.s32 $0x108;
	s8 =	sld [smem:$0x3FB1]  }
0x2e: {  	s3 =	simm.s32 @!p0 $0x1082;
	s9 =	sld [smem:$0x3FB2]  }
0x2f: {  	lr =	sadd.s32 s0, s3;
	s0 =	sld [smem:$0x3FA9]  }
0x30: {  	s3 =	sld [smem:$0x3FAC]  }
0x31: {  	[smem:$0x3FB5] =	sst s10  }
0x32: {  	s10 =	sld [smem:$0x3FB3];
	_ =	sdelay $0x3  }
0x33: {  	p0 =	seq.s32 s10, $0x1;
	s10 =	sld [smem:$0x3FB5];
	_ =	sdelay $0x3  }
0x34: {  	[smem:$0x3FB5] =	sst s10  }
0x35: {  	s10 =	sld [smem:$0x3FB4];
	_ =	sdelay $0x3  }
0x36: {  	p1 =	seq.s32 s10, $0x1;
	s10 =	sld [smem:$0x3FB5];
	_ =	sdelay $0x3  }
0x37: {  	[smem:$0x3FB5] =	sst s10  }
0x38: {  	s10 =	sld [smem:$0x3FB6]  }
0x39: {  	_ = 	snop;
	(pc) =	sbr.ind lr, $3  }
0x3a: {  	_ = 	snop  }
0x3b: {  	_ = 	snop  }
0x3c: {  	p2 =	seq.s32 s10, $0x1;
	s10 =	sld [smem:$0x3FB5]  }
0x3d: {  	_ =	shalt  }
0x3e: {  	_ =	shalt  }
0x3f: {  	_ =	shalt  }
0x40: {  	_ =	shalt  }
0x41: {  	_ =	shalt  }
0x42: {  	_ =	shalt  }
0x43: {  	_ =	shalt  }
0x44: {  	_ =	shalt  }
0x45: {  	_ =	shalt  }
0x46: {  	_ =	shalt  }
0x47: {  	_ =	shalt  }
0x48: {  	_ =	shalt  }
0x49: {  	_ =	shalt  }
0x4a: {  	_ =	shalt  }
0x4b: {  	_ =	shalt  }
0x4c: {  	_ =	shalt  }
0x4d: {  	_ =	shalt  }
0x4e: {  	_ =	shalt  }
0x4f: {  	_ =	shalt  }
0x50: {  	_ =	shalt  }
0x51: {  	_ =	shalt  }
0x52: {  	_ =	shalt  }
0x53: {  	_ =	shalt  }
0x54: {  	_ =	shalt  }
0x55: {  	_ =	shalt  }
0x56: {  	_ =	shalt  }
0x57: {  	_ =	shalt  }
0x58: {  	_ =	shalt  }
0x59: {  	_ =	shalt  }
0x5a: {  	_ =	shalt  }
0x5b: {  	_ =	shalt  }
0x5c: {  	_ =	shalt  }
0x5d: {  	_ =	shalt  }
0x5e: {  	_ =	shalt  }
0x5f: {  	_ =	shalt  }
0x60: {  	_ =	shalt  }
0x61: {  	_ =	shalt  }
0x62: {  	_ =	shalt  }
0x63: {  	_ =	shalt  }
0x64: {  	_ =	shalt  }
0x65: {  	_ =	shalt  }
0x66: {  	_ =	shalt  }
0x67: {  	_ =	shalt  }
0x68: {  	_ =	shalt  }
0x69: {  	_ =	shalt  }
0x6a: {  	_ =	shalt  }
0x6b: {  	_ =	shalt  }
0x6c: {  	_ =	shalt  }
0x6d: {  	_ =	shalt  }
0x6e: {  	_ =	shalt  }
0x6f: {  	_ =	shalt  }
0x70: {  	_ =	shalt  }
0x71: {  	_ =	shalt  }
0x72: {  	_ =	shalt  }
0x73: {  	_ =	shalt  }
0x74: {  	_ =	shalt  }
0x75: {  	_ =	shalt  }
0x76: {  	_ =	shalt  }
0x77: {  	_ =	shalt  }
0x78: {  	_ =	shalt  }
0x79: {  	_ =	shalt  }
0x7a: {  	_ =	shalt  }
0x7b: {  	_ =	shalt  }
0x7c: {  	_ =	shalt  }
0x7d: {  	_ =	shalt  }
0x7e: {  	_ =	shalt  }
0x7f: {  	_ =	shalt  }
0x80: {  	_ =	shalt  }
0x81: {  	_ =	shalt  }
0x82: {  	_ =	shalt  }
0x83: {  	_ =	shalt  }
0x84: {  	_ =	shalt  }
0x85: {  	_ =	shalt  }
0x86: {  	_ =	shalt  }
0x87: {  	_ =	shalt  }
.Lfunc_end0:
.L_simem_size_0:
called_computation_lowered:
.L_overlay_start_0:
0x88: {  	s2 =	sld [smem:$0x3FD9]  }
0x89: {  	s3 =	sld [smem:$0x3FFE];
	_ =	sdelay $0x1  }
0x8a: {  	s1 =	srdreg.scid  }
0x8b: {  	s0 =	sand.u32 $0x1, s1  }
0x8c: {  	s17 =	sshll.u32 s0, $0xA;
	s2 =	sadd.s32 s3, s2  }
0x8d: {  	s2 =	sadd.s32 s2, s17  }
0x8e: {  	[smem:$0x3FC1] =	sst s2  }
0x8f: {  	_ = 	snop  }
0x90: {  	s2 =	sld [smem:$0x3FC9]  }
0x91: {  	s18 =	sld [smem:$0x3FC8]  }
0x92: {  	s4 =	sld [smem:$0x3FC7]  }
0x93: {  	s5 =	sld [smem:$0x3FC4]  }
0x94: {  	s6 =	sld [smem:$0x3FC3]  }
0x95: {  	s7 =	sld [smem:$0x3FD0];
	(tm) =	ssettm $0x1  }
0x96: {  	s8 =	sld [smem:$0x3FFB];
	_ =	sdelay $0x3  }
0x97: {  	_ =	strace s8  }
0x98: {  	s8 =	sld [smem:$0x3FFC];
	_ =	sdelay $0x3  }
0x99: {  	_ =	strace s8  }
0x9a: {  	s8 =	sld [smem:$0x3FFD];
	_ =	sdelay $0x3  }
0x9b: {  	_ =	strace s8  }
0x9c: {  	_ =	strace $0x8FFFFFFF  }
0x9d: {  	s19 =	sld [smem:$0x3FDB];
	_ =	sdelay $0x1  }
0x9e: {  	s9 =	simm.s32 $_scs_section_size  }
0x9f: {  	s10 =	simm.s32 $_size__tile_overlayer_lowered;
	s11 =	simm.s32 $_tile_overlayer_lowered  }
0xa0: {  	s22 =	simm.s32 $0x1BFF;
	s21 =	sshll.u32 s11, $0x1;
	s8 =	sadd.s32 s9, s19  }
0xa1: {  	s12 =	simm.s32 $0x0;
	s20 =	sshll.u32 s10, $0x1;
	s10 =	sadd.s32 s21, s8  }
0xa2: {  	[timem:s12], [sflag:s22] =	dma.local [hbm:s10], s20  }
0xa3: {  	_ =	swait.ge [sflag:s22], s20  }
0xa4: {  	s9 =	ssub.s32 $0x0, s20;
	[sflag:s22] =	ssyncset.done $0x0  }
0xa5: {  	[sflag:s22] =	ssyncadd.s32 s9;
	_ =	sdelay $0x1  }
0xa6: {  	s23 =	simm.s32 $0x1B8B  }
0xa7: {  	_ =	swait.ge [sflag:s23], $0x1  }
0xa8: {  	[sflag:s23] =	ssyncset.done $0x0  }
0xa9: {  	s25 =	simm.s32 $0x1B8E;
	s24 =	sld [smem:$0x3FFE];
	[sflag:s23] =	ssyncadd.s32 $0xFFFFFFFF  }
0xaa: {  	s26 =	simm.s32 $execute0_lowered;
	[smem:$0x3FD2] =	sst s25  }
0xab: {  	s10 =	sshll.u32 s26, $0x1;
	_ =	strace $0x80000046;
	[dreg:$0x1] =	wrdreg $0xFFFFFFFF  }
0xac: {  	s28 =	simm.s32 $_size_execute0_lowered;
	s8 =	sadd.s32 s8, s10;
	[dreg:$0x0] =	wrdreg $0x0  }
0xad: {  	s10 =	sshll.u32 s28, $0x1;
	[dreg:$0x2] =	wrdreg s8  }
0xae: {  	[dreg:$0x3] =	wrdreg s10  }
0xaf: {  	[dreg:$0x4] =	wrdreg $0xC0  }
0xb0: {  	_ =	task [dreg:s12], $0x5FFFF  }
0xb1: {  	[dreg:$0x1] =	wrdreg $0xFFFFFFFF  }
0xb2: {  	[dreg:$0x0] =	wrdreg $0x60  }
0xb3: {  	[dreg:$0x2] =	wrdreg s2  }
0xb4: {  	[dreg:$0x3] =	wrdreg s18  }
0xb5: {  	[dreg:$0x4] =	wrdreg s4  }
0xb6: {  	[dreg:$0x5] =	wrdreg s24  }
0xb7: {  	[dreg:$0x6] =	wrdreg s5  }
0xb8: {  	[dreg:$0x7] =	wrdreg s6  }
0xb9: {  	[dreg:$0x8] =	wrdreg s7  }
0xba: {  	[dreg:$0x9] =	wrdreg $0x9  }
0xbb: {  	_ =	task.clear_ibuf [dreg:s12], $0xAFFFF;
	_ =	strace $0x90000046  }
0xbc: {  	s29 =	simm.s32 $0x9;
	_ =	strace $0x80000048  }
0xbd: {  	_ =	swait.ge [sflag:s29], $0x1  }
0xbe: {  	[sflag:s29] =	ssyncadd.s32 $0xFFFFFFFF  }
0xbf: {  	_ =	strace $0x90000048  }
0xc0: {  	_ =	sfence  }
0xc1: {  	s30 =	sld [smem:$0x0];
	_ =	sdelay $0x2  }
0xc2: {  	s31 =	sshll.u32 s1, $0xD;
	s1 =	sshrl.u32 s1, $0x2  }
0xc3: {  	s3 =	sand.u32 $0x4000, s31;
	s1 =	sadd.s32 s1, s30  }
0xc4: {  	s0 =	sor.u32 s3, s0;
	s1 =	sshll.u32 s1, $0x11  }
0xc5: {  	s0 =	sor.u32 s1, s0  }
0xc6: {  	s0 =	sadd.s32 $0x8F2B, s0  }
0xc7: {  	[sflag:s0] =	ssyncadd.remote.s32 $0x1  }
0xc8: {  	_ =	sfence.sel $0xFFFF  }
0xc9: {  	[dreg:$0x0] =	wrdreg $0xFFFFFFFF;
	(pc) =	sbr.abs _section_cstart, $3  }
0xca: {  	[dreg:$0x1] =	wrdreg $0xFFFFFFFF  }
0xcb: {  	_ =	task.clear_ibuf [dreg:s12], $0x2FFFF;
	_ =	strace $0x9FFFFFFF  }
0xcc: {  	(tm) =	ssettm $0x7FFFFFFF  }
0xcd: {  	_ =	shalt  }
tec
execute0_lowered:
.L_overlay_start_1:
0x0: {  	(tag) =	ssettag $0x1  }
0x1: {  	s0 =	rddreg [dreg:$0x0]  }
0x2: {  	s1 =	rddreg [dreg:$0x1]  }
0x3: {  	s2 =	rddreg [dreg:$0x2]  }
0x4: {  	s3 =	rddreg [dreg:$0x3]  }
0x5: {  	s10 =	rddreg [dreg:$0x6];
	s4 =	simm.s32 $0x0  }
0x6: {  	s5 =	srdreg.scid;
	s7 =	stileid.u32;
	s16 =	simm.s32 $0x800  }
0x7: {  	s18 =	simm.s32 $0x1;
	s19 =	simm.s32 $0x80;
	s20 =	simm.s32 $0x1020  }
0x8: {  	s26 =	simm.s32 $0x9020;
	s29 =	simm.s32 $0x5020;
	s14 =	simm.s32 $0x8  }
0x9: {  	s15 =	simm.s32 $0x48;
	s17 =	simm.s32 $0x2;
	s21 =	simm.s32 $0x20  }
0xa: {  	s22 =	simm.s32 $0x3;
	s23 =	simm.s32 $0x0;
	[smem:$0x7FF] =	sst s4  }
0xb: {  	s6 =	sand.u32 $0x1, s5;
	s7 =	sshll.u32 s7, $0x1;
	s5 =	sadd.s32 $0x187200, s3  }
0xc: {  	_ =	strace $0x80000047;
	s8 =	ssub.s32 $0x2, s6;
	s6 =	sor.u32 s6, s7  }
0xd: {  	s30 =	sshrl.u32 s8, $0x1;
	s9 =	sshll.u32 s6, $0x6;
	s11 =	smul.u32 $0x1200, s6  }
0xe: {  	s6 =	sadd.s32 $0x600, s3;
	s3 =	simm.s32 $0x7020;
	s31 =	ssub.s32 s8, s30  }
0xf: {  	v0 =	vimm.s32 $0x3FF;
	s7 =	sadd.s32 s0, s9;
	s8 =	sadd.s32 s1, s9;
	s9 =	sadd.s32 s2, s9  }
0x10: {  	v2 =	vlaneseq.u32;
	s1 =	simm.s32 $0x780;
	s2 =	simm.s32 $0x8020;
	s10 =	sadd.s32 s10, s11  }
0x11: {  	v1 =	vimm.s32 $0x0;
	v2 =	vmul.u32 $0x8, v2;
	s13 =	smax.u32 s31, $0x1;
	s11 =	sadd.s32 $0x8, s10;
	s12 =	sadd.s32 $0x4, s10  }
.LBB2_1:
0x12: {  	[tilespmem:s4], [sflag:$0x1] =	stream.linear.gather [hbm4b:s7+s4], $0x200, $0x38;
	[tilespmem:$0xA020] =	vst v63  }
0x13: {  	s0 =	simm.s32 $0x200  }
0x14: {  	[tilespmem:s0], [sflag:$0x1] =	stream.linear.gather [hbm4b:s8+s4], $0x200, $0x38;
	[tilespmem:$0xA020] =	vst v63  }
0x15: {  	s25 =	simm.s32 $0x400  }
0x16: {  	[tilespmem:s25], [sflag:$0x1] =	stream.linear.gather [hbm4b:s9+s4], $0x200, $0x38;
	[tilespmem:$0xA020] =	vst v63  }
0x17: {  	s24 =	rddreg [dreg:$0x4]  }
0x18: {  	[tilespmem:s16], [sflag:$0x1] =	stream.linear.gather [hbm4b:s24+s4], $0x800, $0x38;
	[tilespmem:$0xA020] =	vst v63  }
0x19: {  	s25 =	rddreg [dreg:$0x5];
	s24 =	simm.s32 $0x1000  }
0x1a: {  	[tilespmem:s24], [sflag:$0x1] =	stream.linear.gather [hbm4b:s25+s4], $0x20, $0x38;
	[tilespmem:$0xA020] =	vst v63  }
0x1b: {  	_ =	swait.ge [sflag:s18], $0x200  }
0x1c: {  	[sflag:s18] =	ssyncset.done $0x0  }
0x1d: {  	[sflag:s18] =	ssyncadd.s32 $0xFFFFFE00  }
0x1e: {  	_ =	swait.ge [sflag:s18], $0x200  }
0x1f: {  	[sflag:s18] =	ssyncset.done $0x0  }
0x20: {  	[sflag:s18] =	ssyncadd.s32 $0xFFFFFE00  }
0x21: {  	_ =	swait.ge [sflag:s18], $0x200  }
0x22: {  	[sflag:s18] =	ssyncset.done $0x0  }
0x23: {  	[sflag:s18] =	ssyncadd.s32 $0xFFFFFE00  }
0x24: {  	_ =	swait.ge [sflag:s18], $0x800  }
0x25: {  	[sflag:s18] =	ssyncset.done $0x0  }
0x26: {  	[sflag:s18] =	ssyncadd.s32 $0xFFFFF800  }
0x27: {  	_ =	swait.ge [sflag:s18], $0x20  }
0x28: {  	[sflag:s18] =	ssyncset.done $0x0  }
0x29: {  	[sflag:s18] =	ssyncadd.s32 $0xFFFFFFE0  }
0x2a: {  	[tilespmem:s20], [sflag:$0x2] =	stream.indirect.gather [hbm4b:s5+s19], $0x20, s4, s19, $0xb8;
	[tilespmem:$0xA020] =	vst v63  }
0x2b: {  	s25 =	simm.s32 $0x2020  }
0x2c: {  	[tilespmem:s25], [sflag:$0x2] =	stream.indirect.gather [hbm4b:s5+s19], $0x20, s19, s19, $0xb8;
	[tilespmem:$0xA020] =	vst v63  }
0x2d: {  	s24 =	simm.s32 $0x100;
	s25 =	simm.s32 $0x3020  }
0x2e: {  	[tilespmem:s25], [sflag:$0x2] =	stream.indirect.gather [hbm4b:s5+s19], $0x20, s24, s19, $0xb8;
	[tilespmem:$0xA020] =	vst v63  }
0x2f: {  	s24 =	simm.s32 $0x180;
	s25 =	simm.s32 $0x4020  }
0x30: {  	[tilespmem:s25], [sflag:$0x2] =	stream.indirect.gather [hbm4b:s5+s19], $0x20, s24, s19, $0xb8;
	[tilespmem:$0xA020] =	vst v63  }
0x31: {  	v3 =	vld [tilespmem:$0x1010];
	_ =	sdelay $0x4  }
0x32: {  	(erf) = vrcp.f32 v3;
	_ =	sdelay $0x7  }
0x33: {  	s28 =	simm.s32 $0x610;
	s30 =	simm.s32 $0x410  }
0x34: {  	s31 =	simm.s32 $0x10;
	s24 =	simm.s32 $0xFFFFFFFE;
	s25 =	simm.s32 $0x210;
	v3 =	vld [tilespmem:$0x1000];
	v4 =	vpop (erf)  }
.LBB2_2:
0x35: {  	v5 =	vld [tilespmem:s25+$0xFFFFFFF0];
	_ =	sdelay $0x1  }
0x36: {  	v6 =	vld.idx.msk [tilespmem:v0+s16+$0x0], $0xffff;
	_ =	sdelay $0x2  }
0x37: {  	v5 =	vcvt.s32.f32 v5;
	_ =	sdelay $0x1  }
0x38: {  	vm0 =	vle.f32 v6, v5  }
0x39: {  	v6 =	vsel vm0, $0x400, v1  }
0x3a: {  	v7 =	vor.u32 $0x1FF, v6;
	_ =	sdelay $0x4  }
0x3b: {  	v7 =	vld.idx.msk [tilespmem:v7+s16+$0x0], $0xffff;
	_ =	sdelay $0x4  }
0x3c: {  	vm7 =	vle.f32 v7, v5;
	v7 =	vor.u32 $0x200, v6  }
0x3d: {  	v6 =	vsel vm7, v7, v6  }
0x3e: {  	v7 =	vor.u32 $0xFF, v6;
	_ =	sdelay $0x4  }
0x3f: {  	v7 =	vld.idx.msk [tilespmem:v7+s16+$0x0], $0xffff;
	_ =	sdelay $0x4  }
0x40: {  	vm8 =	vle.f32 v7, v5;
	v7 =	vor.u32 $0x100, v6  }
0x41: {  	v6 =	vsel vm8, v7, v6  }
0x42: {  	v7 =	vor.u32 $0x7F, v6;
	_ =	sdelay $0x4  }
0x43: {  	v7 =	vld.idx.msk [tilespmem:v7+s16+$0x0], $0xffff;
	_ =	sdelay $0x4  }
0x44: {  	vm9 =	vle.f32 v7, v5;
	v7 =	vor.u32 $0x80, v6  }
0x45: {  	v6 =	vsel vm9, v7, v6  }
0x46: {  	v7 =	vadd.s32 $0x3F, v6;
	_ =	sdelay $0x4  }
0x47: {  	v7 =	vld.idx.msk [tilespmem:v7+s16+$0x0], $0xffff;
	_ =	sdelay $0x4  }
0x48: {  	vm10 =	vle.f32 v7, v5;
	v7 =	vadd.s32 $0x40, v6  }
0x49: {  	v6 =	vsel vm10, v7, v6  }
0x4a: {  	v7 =	vadd.s32 $0x1F, v6;
	_ =	sdelay $0x4  }
0x4b: {  	v7 =	vld.idx.msk [tilespmem:v7+s16+$0x0], $0xffff;
	_ =	sdelay $0x4  }
0x4c: {  	vm11 =	vle.f32 v7, v5;
	v7 =	vadd.s32 $0x20, v6  }
0x4d: {  	v6 =	vsel vm11, v7, v6  }
0x4e: {  	v7 =	vadd.s32 $0xF, v6;
	_ =	sdelay $0x4  }
0x4f: {  	v7 =	vld.idx.msk [tilespmem:v7+s16+$0x0], $0xffff;
	_ =	sdelay $0x4  }
0x50: {  	vm12 =	vle.f32 v7, v5;
	v7 =	vadd.s32 $0x10, v6  }
0x51: {  	v6 =	vsel vm12, v7, v6  }
0x52: {  	v7 =	vadd.s32 $0x7, v6;
	_ =	sdelay $0x4  }
0x53: {  	v7 =	vld.idx.msk [tilespmem:v7+s16+$0x0], $0xffff;
	_ =	sdelay $0x4  }
0x54: {  	vm13 =	vle.f32 v7, v5;
	v7 =	vadd.s32 $0x8, v6  }
0x55: {  	v6 =	vsel vm13, v7, v6  }
0x56: {  	v7 =	vadd.s32 $0x3, v6;
	_ =	sdelay $0x4  }
0x57: {  	v7 =	vld.idx.msk [tilespmem:v7+s16+$0x0], $0xffff;
	_ =	sdelay $0x4  }
0x58: {  	vm14 =	vle.f32 v7, v5;
	v7 =	vadd.s32 $0x4, v6  }
0x59: {  	v6 =	vsel vm14, v7, v6  }
0x5a: {  	v7 =	vadd.s32 $0x1, v6;
	_ =	sdelay $0x4  }
0x5b: {  	v7 =	vld.idx.msk [tilespmem:v7+s16+$0x0], $0xffff;
	_ =	sdelay $0x4  }
0x5c: {  	vm15 =	vle.f32 v7, v5;
	v7 =	vadd.s32 $0x2, v6  }
0x5d: {  	v6 =	vsel vm15, v7, v6;
	_ =	sdelay $0x4  }
0x5e: {  	v7 =	vld.idx.msk [tilespmem:v6+s16+$0x0], $0xffff;
	_ =	sdelay $0x4  }
0x5f: {  	vm4 =	vle.f32 v7, v5  }
0x60: {  	v5 =	vsel vm4, $0x1, v1  }
0x61: {  	v5 =	vadd.s32 v5, v6  }
0x62: {  	[tilespmem:s28+$0xFFFFFFF0] =	vst v5  }
0x63: {  	v5 =	vld [tilespmem:s30+$0xFFFFFFF0]  }
0x64: {  	s0 =	sadd.s32 $0xFFFFFFF0, s31  }
0x65: {  	v6 =	vmov s0  }
0x66: {  	v6 =	vshll.u32 v6, $0x3  }
0x67: {  	v6 =	vor.u32 v2, v6  }
0x68: {  	v5 =	vsub.f32 v5, v3;
	_ =	sdelay $0x1  }
0x69: {  	v5 =	vmul.f32 v5, v4;
	_ =	sdelay $0x1  }
0x6a: {  	[tilespmem:v6+s26+$0x0] =	vst.idx.msk $0xffff, v5  }
0x6b: {  	v5 =	vld [tilespmem:s25+$0x0];
	_ =	sdelay $0x1  }
0x6c: {  	v6 =	vld.idx.msk [tilespmem:v0+s16+$0x0], $0xffff;
	_ =	sdelay $0x2  }
0x6d: {  	v5 =	vcvt.s32.f32 v5;
	_ =	sdelay $0x1  }
0x6e: {  	vm5 =	vle.f32 v6, v5  }
0x6f: {  	v6 =	vsel vm5, $0x400, v1  }
0x70: {  	v7 =	vor.u32 $0x1FF, v6;
	_ =	sdelay $0x4  }
0x71: {  	v7 =	vld.idx.msk [tilespmem:v7+s16+$0x0], $0xffff;
	_ =	sdelay $0x4  }
0x72: {  	vm6 =	vle.f32 v7, v5;
	v7 =	vor.u32 $0x200, v6  }
0x73: {  	v6 =	vsel vm6, v7, v6  }
0x74: {  	v7 =	vor.u32 $0xFF, v6;
	_ =	sdelay $0x4  }
0x75: {  	v7 =	vld.idx.msk [tilespmem:v7+s16+$0x0], $0xffff;
	_ =	sdelay $0x4  }
0x76: {  	vm7 =	vle.f32 v7, v5;
	v7 =	vor.u32 $0x100, v6  }
0x77: {  	v6 =	vsel vm7, v7, v6  }
0x78: {  	v7 =	vor.u32 $0x7F, v6;
	_ =	sdelay $0x4  }
0x79: {  	v7 =	vld.idx.msk [tilespmem:v7+s16+$0x0], $0xffff;
	_ =	sdelay $0x4  }
0x7a: {  	vm8 =	vle.f32 v7, v5;
	v7 =	vor.u32 $0x80, v6  }
0x7b: {  	v6 =	vsel vm8, v7, v6  }
0x7c: {  	v7 =	vadd.s32 $0x3F, v6;
	_ =	sdelay $0x4  }
0x7d: {  	v7 =	vld.idx.msk [tilespmem:v7+s16+$0x0], $0xffff;
	_ =	sdelay $0x4  }
0x7e: {  	vm9 =	vle.f32 v7, v5;
	v7 =	vadd.s32 $0x40, v6  }
0x7f: {  	v6 =	vsel vm9, v7, v6  }
0x80: {  	v7 =	vadd.s32 $0x1F, v6;
	_ =	sdelay $0x4  }
0x81: {  	v7 =	vld.idx.msk [tilespmem:v7+s16+$0x0], $0xffff;
	_ =	sdelay $0x4  }
0x82: {  	vm10 =	vle.f32 v7, v5;
	v7 =	vadd.s32 $0x20, v6  }
0x83: {  	v6 =	vsel vm10, v7, v6  }
0x84: {  	v7 =	vadd.s32 $0xF, v6;
	_ =	sdelay $0x4  }
0x85: {  	v7 =	vld.idx.msk [tilespmem:v7+s16+$0x0], $0xffff;
	_ =	sdelay $0x4  }
0x86: {  	vm11 =	vle.f32 v7, v5;
	v7 =	vadd.s32 $0x10, v6  }
0x87: {  	v6 =	vsel vm11, v7, v6  }
0x88: {  	v7 =	vadd.s32 $0x7, v6;
	_ =	sdelay $0x4  }
0x89: {  	v7 =	vld.idx.msk [tilespmem:v7+s16+$0x0], $0xffff;
	_ =	sdelay $0x4  }
0x8a: {  	vm12 =	vle.f32 v7, v5;
	v7 =	vadd.s32 $0x8, v6  }
0x8b: {  	v6 =	vsel vm12, v7, v6  }
0x8c: {  	v7 =	vadd.s32 $0x3, v6;
	_ =	sdelay $0x4  }
0x8d: {  	v7 =	vld.idx.msk [tilespmem:v7+s16+$0x0], $0xffff;
	_ =	sdelay $0x4  }
0x8e: {  	vm13 =	vle.f32 v7, v5;
	v7 =	vadd.s32 $0x4, v6  }
0x8f: {  	v6 =	vsel vm13, v7, v6  }
0x90: {  	v7 =	vadd.s32 $0x1, v6;
	_ =	sdelay $0x4  }
0x91: {  	v7 =	vld.idx.msk [tilespmem:v7+s16+$0x0], $0xffff;
	_ =	sdelay $0x4  }
0x92: {  	vm14 =	vle.f32 v7, v5;
	v7 =	vadd.s32 $0x2, v6  }
0x93: {  	v6 =	vsel vm14, v7, v6;
	_ =	sdelay $0x4  }
0x94: {  	v7 =	vld.idx.msk [tilespmem:v6+s16+$0x0], $0xffff;
	_ =	sdelay $0x4  }
0x95: {  	vm15 =	vle.f32 v7, v5  }
0x96: {  	v5 =	vsel vm15, $0x1, v1  }
0x97: {  	v5 =	vadd.s32 v5, v6  }
0x98: {  	[tilespmem:s28+$0x0] =	vst v5  }
0x99: {  	v5 =	vld [tilespmem:s30+$0x0];
	_ =	sdelay $0x1  }
0x9a: {  	v6 =	vmov s31  }
0x9b: {  	s24 =	sadd.s32 $0x2, s24;
	v6 =	vshll.u32 v6, $0x3  }
0x9c: {  	p0 =	slt.u32 s24, $0x6;
	v6 =	vor.u32 v2, v6  }
.Ltmp0:
0x9d: {  	v5 =	vsub.f32 v5, v3;
	(pc) =	sbr.rel @p0 .LBB2_2-.Ltmp0, $4  }
0x9e: {  	_ = 	snop  }
0x9f: {  	v5 =	vmul.f32 v5, v4  }
0xa0: {  	s25 =	sadd.s32 $0x20, s25  }
0xa1: {  	s31 =	sadd.s32 $0x20, s31;
	s28 =	sadd.s32 $0x20, s28;
	s30 =	sadd.s32 $0x20, s30;
	[tilespmem:v6+s26+$0x0] =	vst.idx.msk $0xffff, v5  }
0xa2: {  	s24 =	simm.s32 $0x80;
	s0 =	simm.s32 $0x600;
	s25 =	simm.s32 $0x6  }
0xa3: {  	s28 =	simm.s32 $0x690;
	s30 =	simm.s32 $0x490;
	s31 =	simm.s32 $0x290  }
0xa4: {  	[tilespmem:s29], [sflag:$0x2] =	stream.indirect.gather [hbm4b:s6+s24], $0x20, s0, s24, $0xb8;
	[tilespmem:$0xA020] =	vst v63  }
.LBB2_4:
0xa5: {  	v5 =	vld [tilespmem:s31+$0xFFFFFFF0];
	_ =	sdelay $0x1  }
0xa6: {  	v6 =	vld.idx.msk [tilespmem:v0+s16+$0x0], $0xffff;
	_ =	sdelay $0x2  }
0xa7: {  	v5 =	vcvt.s32.f32 v5;
	_ =	sdelay $0x1  }
0xa8: {  	vm0 =	vle.f32 v6, v5  }
0xa9: {  	v6 =	vsel vm0, $0x400, v1  }
0xaa: {  	v7 =	vor.u32 $0x1FF, v6;
	_ =	sdelay $0x4  }
0xab: {  	v7 =	vld.idx.msk [tilespmem:v7+s16+$0x0], $0xffff;
	_ =	sdelay $0x4  }
0xac: {  	vm7 =	vle.f32 v7, v5;
	v7 =	vor.u32 $0x200, v6  }
0xad: {  	v6 =	vsel vm7, v7, v6  }
0xae: {  	v7 =	vor.u32 $0xFF, v6;
	_ =	sdelay $0x4  }
0xaf: {  	v7 =	vld.idx.msk [tilespmem:v7+s16+$0x0], $0xffff;
	_ =	sdelay $0x4  }
0xb0: {  	vm8 =	vle.f32 v7, v5;
	v7 =	vor.u32 $0x100, v6  }
0xb1: {  	v6 =	vsel vm8, v7, v6  }
0xb2: {  	v7 =	vor.u32 $0x7F, v6;
	_ =	sdelay $0x4  }
0xb3: {  	v7 =	vld.idx.msk [tilespmem:v7+s16+$0x0], $0xffff;
	_ =	sdelay $0x4  }
0xb4: {  	vm9 =	vle.f32 v7, v5;
	v7 =	vor.u32 $0x80, v6  }
0xb5: {  	v6 =	vsel vm9, v7, v6  }
0xb6: {  	v7 =	vadd.s32 $0x3F, v6;
	_ =	sdelay $0x4  }
0xb7: {  	v7 =	vld.idx.msk [tilespmem:v7+s16+$0x0], $0xffff;
	_ =	sdelay $0x4  }
0xb8: {  	vm10 =	vle.f32 v7, v5;
	v7 =	vadd.s32 $0x40, v6  }
0xb9: {  	v6 =	vsel vm10, v7, v6  }
0xba: {  	v7 =	vadd.s32 $0x1F, v6;
	_ =	sdelay $0x4  }
0xbb: {  	v7 =	vld.idx.msk [tilespmem:v7+s16+$0x0], $0xffff;
	_ =	sdelay $0x4  }
0xbc: {  	vm11 =	vle.f32 v7, v5;
	v7 =	vadd.s32 $0x20, v6  }
0xbd: {  	v6 =	vsel vm11, v7, v6  }
0xbe: {  	v7 =	vadd.s32 $0xF, v6;
	_ =	sdelay $0x4  }
0xbf: {  	v7 =	vld.idx.msk [tilespmem:v7+s16+$0x0], $0xffff;
	_ =	sdelay $0x4  }
0xc0: {  	vm12 =	vle.f32 v7, v5;
	v7 =	vadd.s32 $0x10, v6  }
0xc1: {  	v6 =	vsel vm12, v7, v6  }
0xc2: {  	v7 =	vadd.s32 $0x7, v6;
	_ =	sdelay $0x4  }
0xc3: {  	v7 =	vld.idx.msk [tilespmem:v7+s16+$0x0], $0xffff;
	_ =	sdelay $0x4  }
0xc4: {  	vm13 =	vle.f32 v7, v5;
	v7 =	vadd.s32 $0x8, v6  }
0xc5: {  	v6 =	vsel vm13, v7, v6  }
0xc6: {  	v7 =	vadd.s32 $0x3, v6;
	_ =	sdelay $0x4  }
0xc7: {  	v7 =	vld.idx.msk [tilespmem:v7+s16+$0x0], $0xffff;
	_ =	sdelay $0x4  }
0xc8: {  	vm14 =	vle.f32 v7, v5;
	v7 =	vadd.s32 $0x4, v6  }
0xc9: {  	v6 =	vsel vm14, v7, v6  }
0xca: {  	v7 =	vadd.s32 $0x1, v6;
	_ =	sdelay $0x4  }
0xcb: {  	v7 =	vld.idx.msk [tilespmem:v7+s16+$0x0], $0xffff;
	_ =	sdelay $0x4  }
0xcc: {  	vm15 =	vle.f32 v7, v5;
	v7 =	vadd.s32 $0x2, v6  }
0xcd: {  	v6 =	vsel vm15, v7, v6;
	_ =	sdelay $0x4  }
0xce: {  	v7 =	vld.idx.msk [tilespmem:v6+s16+$0x0], $0xffff;
	_ =	sdelay $0x4  }
0xcf: {  	vm4 =	vle.f32 v7, v5  }
0xd0: {  	v5 =	vsel vm4, $0x1, v1  }
0xd1: {  	v5 =	vadd.s32 v5, v6  }
0xd2: {  	[tilespmem:s28+$0xFFFFFFF0] =	vst v5  }
0xd3: {  	v5 =	vld [tilespmem:s30+$0xFFFFFFF0];
	_ =	sdelay $0x1  }
0xd4: {  	v6 =	vmov s24  }
0xd5: {  	v6 =	vshll.u32 v6, $0x3  }
0xd6: {  	v6 =	vor.u32 v2, v6  }
0xd7: {  	v5 =	vsub.f32 v5, v3;
	_ =	sdelay $0x1  }
0xd8: {  	v5 =	vmul.f32 v5, v4;
	_ =	sdelay $0x1  }
0xd9: {  	[tilespmem:v6+s26+$0x0] =	vst.idx.msk $0xffff, v5  }
0xda: {  	v5 =	vld [tilespmem:s31+$0x0];
	_ =	sdelay $0x1  }
0xdb: {  	v6 =	vld.idx.msk [tilespmem:v0+s16+$0x0], $0xffff;
	_ =	sdelay $0x2  }
0xdc: {  	v5 =	vcvt.s32.f32 v5;
	_ =	sdelay $0x1  }
0xdd: {  	vm5 =	vle.f32 v6, v5  }
0xde: {  	v6 =	vsel vm5, $0x400, v1  }
0xdf: {  	v7 =	vor.u32 $0x1FF, v6;
	_ =	sdelay $0x4  }
0xe0: {  	v7 =	vld.idx.msk [tilespmem:v7+s16+$0x0], $0xffff;
	_ =	sdelay $0x4  }
0xe1: {  	vm6 =	vle.f32 v7, v5;
	v7 =	vor.u32 $0x200, v6  }
0xe2: {  	v6 =	vsel vm6, v7, v6  }
0xe3: {  	v7 =	vor.u32 $0xFF, v6;
	_ =	sdelay $0x4  }
0xe4: {  	v7 =	vld.idx.msk [tilespmem:v7+s16+$0x0], $0xffff;
	_ =	sdelay $0x4  }
0xe5: {  	vm7 =	vle.f32 v7, v5;
	v7 =	vor.u32 $0x100, v6  }
0xe6: {  	v6 =	vsel vm7, v7, v6  }
0xe7: {  	v7 =	vor.u32 $0x7F, v6;
	_ =	sdelay $0x4  }
0xe8: {  	v7 =	vld.idx.msk [tilespmem:v7+s16+$0x0], $0xffff;
	_ =	sdelay $0x4  }
0xe9: {  	vm8 =	vle.f32 v7, v5;
	v7 =	vor.u32 $0x80, v6  }
0xea: {  	v6 =	vsel vm8, v7, v6  }
0xeb: {  	v7 =	vadd.s32 $0x3F, v6;
	_ =	sdelay $0x4  }
0xec: {  	v7 =	vld.idx.msk [tilespmem:v7+s16+$0x0], $0xffff;
	_ =	sdelay $0x4  }
0xed: {  	vm9 =	vle.f32 v7, v5;
	v7 =	vadd.s32 $0x40, v6  }
0xee: {  	v6 =	vsel vm9, v7, v6  }
0xef: {  	v7 =	vadd.s32 $0x1F, v6;
	_ =	sdelay $0x4  }
0xf0: {  	v7 =	vld.idx.msk [tilespmem:v7+s16+$0x0], $0xffff;
	_ =	sdelay $0x4  }
0xf1: {  	vm10 =	vle.f32 v7, v5;
	v7 =	vadd.s32 $0x20, v6  }
0xf2: {  	v6 =	vsel vm10, v7, v6  }
0xf3: {  	v7 =	vadd.s32 $0xF, v6;
	_ =	sdelay $0x4  }
0xf4: {  	v7 =	vld.idx.msk [tilespmem:v7+s16+$0x0], $0xffff;
	_ =	sdelay $0x4  }
0xf5: {  	vm11 =	vle.f32 v7, v5;
	v7 =	vadd.s32 $0x10, v6  }
0xf6: {  	v6 =	vsel vm11, v7, v6  }
0xf7: {  	v7 =	vadd.s32 $0x7, v6;
	_ =	sdelay $0x4  }
0xf8: {  	v7 =	vld.idx.msk [tilespmem:v7+s16+$0x0], $0xffff;
	_ =	sdelay $0x4  }
0xf9: {  	vm12 =	vle.f32 v7, v5;
	v7 =	vadd.s32 $0x8, v6  }
0xfa: {  	v6 =	vsel vm12, v7, v6  }
0xfb: {  	v7 =	vadd.s32 $0x3, v6;
	_ =	sdelay $0x4  }
0xfc: {  	v7 =	vld.idx.msk [tilespmem:v7+s16+$0x0], $0xffff;
	_ =	sdelay $0x4  }
0xfd: {  	vm13 =	vle.f32 v7, v5;
	v7 =	vadd.s32 $0x4, v6  }
0xfe: {  	v6 =	vsel vm13, v7, v6  }
0xff: {  	v7 =	vadd.s32 $0x1, v6;
	_ =	sdelay $0x4  }
0x100: {  	v7 =	vld.idx.msk [tilespmem:v7+s16+$0x0], $0xffff;
	_ =	sdelay $0x4  }
0x101: {  	vm14 =	vle.f32 v7, v5;
	v7 =	vadd.s32 $0x2, v6  }
0x102: {  	v6 =	vsel vm14, v7, v6;
	_ =	sdelay $0x4  }
0x103: {  	v7 =	vld.idx.msk [tilespmem:v6+s16+$0x0], $0xffff;
	_ =	sdelay $0x4  }
0x104: {  	vm15 =	vle.f32 v7, v5  }
0x105: {  	v5 =	vsel vm15, $0x1, v1  }
0x106: {  	v5 =	vadd.s32 v5, v6  }
0x107: {  	[tilespmem:s28+$0x0] =	vst v5  }
0x108: {  	v5 =	vld [tilespmem:s30+$0x0]  }
0x109: {  	s0 =	sadd.s32 $0x10, s24  }
0x10a: {  	v6 =	vmov s0  }
0x10b: {  	s25 =	sadd.s32 $0x2, s25;
	v6 =	vshll.u32 v6, $0x3  }
0x10c: {  	p0 =	slt.u32 s25, $0xE;
	v6 =	vor.u32 v2, v6  }
.Ltmp1:
0x10d: {  	v5 =	vsub.f32 v5, v3;
	(pc) =	sbr.rel @p0 .LBB2_4-.Ltmp1, $4  }
0x10e: {  	_ = 	snop  }
0x10f: {  	v5 =	vmul.f32 v5, v4  }
0x110: {  	s24 =	sadd.s32 $0x20, s24  }
0x111: {  	s31 =	sadd.s32 $0x20, s31;
	s28 =	sadd.s32 $0x20, s28;
	s30 =	sadd.s32 $0x20, s30;
	[tilespmem:v6+s26+$0x0] =	vst.idx.msk $0xffff, v5  }
0x112: {  	s0 =	simm.s32 $0x680  }
0x113: {  	s24 =	simm.s32 $0x6020;
	s25 =	simm.s32 $0x100;
	s28 =	simm.s32 $0x710  }
0x114: {  	[tilespmem:s24], [sflag:$0x2] =	stream.indirect.gather [hbm4b:s6+s19], $0x20, s0, s19, $0xb8;
	[tilespmem:$0xA020] =	vst v63  }
0x115: {  	s30 =	simm.s32 $0x510;
	s31 =	simm.s32 $0x310;
	s24 =	simm.s32 $0xE  }
.LBB2_6:
0x116: {  	v5 =	vld [tilespmem:s31+$0xFFFFFFF0];
	_ =	sdelay $0x1  }
0x117: {  	v6 =	vld.idx.msk [tilespmem:v0+s16+$0x0], $0xffff;
	_ =	sdelay $0x2  }
0x118: {  	v5 =	vcvt.s32.f32 v5;
	_ =	sdelay $0x1  }
0x119: {  	vm0 =	vle.f32 v6, v5  }
0x11a: {  	v6 =	vsel vm0, $0x400, v1  }
0x11b: {  	v7 =	vor.u32 $0x1FF, v6;
	_ =	sdelay $0x4  }
0x11c: {  	v7 =	vld.idx.msk [tilespmem:v7+s16+$0x0], $0xffff;
	_ =	sdelay $0x4  }
0x11d: {  	vm7 =	vle.f32 v7, v5;
	v7 =	vor.u32 $0x200, v6  }
0x11e: {  	v6 =	vsel vm7, v7, v6  }
0x11f: {  	v7 =	vor.u32 $0xFF, v6;
	_ =	sdelay $0x4  }
0x120: {  	v7 =	vld.idx.msk [tilespmem:v7+s16+$0x0], $0xffff;
	_ =	sdelay $0x4  }
0x121: {  	vm8 =	vle.f32 v7, v5;
	v7 =	vor.u32 $0x100, v6  }
0x122: {  	v6 =	vsel vm8, v7, v6  }
0x123: {  	v7 =	vor.u32 $0x7F, v6;
	_ =	sdelay $0x4  }
0x124: {  	v7 =	vld.idx.msk [tilespmem:v7+s16+$0x0], $0xffff;
	_ =	sdelay $0x4  }
0x125: {  	vm9 =	vle.f32 v7, v5;
	v7 =	vor.u32 $0x80, v6  }
0x126: {  	v6 =	vsel vm9, v7, v6  }
0x127: {  	v7 =	vadd.s32 $0x3F, v6;
	_ =	sdelay $0x4  }
0x128: {  	v7 =	vld.idx.msk [tilespmem:v7+s16+$0x0], $0xffff;
	_ =	sdelay $0x4  }
0x129: {  	vm10 =	vle.f32 v7, v5;
	v7 =	vadd.s32 $0x40, v6  }
0x12a: {  	v6 =	vsel vm10, v7, v6  }
0x12b: {  	v7 =	vadd.s32 $0x1F, v6;
	_ =	sdelay $0x4  }
0x12c: {  	v7 =	vld.idx.msk [tilespmem:v7+s16+$0x0], $0xffff;
	_ =	sdelay $0x4  }
0x12d: {  	vm11 =	vle.f32 v7, v5;
	v7 =	vadd.s32 $0x20, v6  }
0x12e: {  	v6 =	vsel vm11, v7, v6  }
0x12f: {  	v7 =	vadd.s32 $0xF, v6;
	_ =	sdelay $0x4  }
0x130: {  	v7 =	vld.idx.msk [tilespmem:v7+s16+$0x0], $0xffff;
	_ =	sdelay $0x4  }
0x131: {  	vm12 =	vle.f32 v7, v5;
	v7 =	vadd.s32 $0x10, v6  }
0x132: {  	v6 =	vsel vm12, v7, v6  }
0x133: {  	v7 =	vadd.s32 $0x7, v6;
	_ =	sdelay $0x4  }
0x134: {  	v7 =	vld.idx.msk [tilespmem:v7+s16+$0x0], $0xffff;
	_ =	sdelay $0x4  }
0x135: {  	vm13 =	vle.f32 v7, v5;
	v7 =	vadd.s32 $0x8, v6  }
0x136: {  	v6 =	vsel vm13, v7, v6  }
0x137: {  	v7 =	vadd.s32 $0x3, v6;
	_ =	sdelay $0x4  }
0x138: {  	v7 =	vld.idx.msk [tilespmem:v7+s16+$0x0], $0xffff;
	_ =	sdelay $0x4  }
0x139: {  	vm14 =	vle.f32 v7, v5;
	v7 =	vadd.s32 $0x4, v6  }
0x13a: {  	v6 =	vsel vm14, v7, v6  }
0x13b: {  	v7 =	vadd.s32 $0x1, v6;
	_ =	sdelay $0x4  }
0x13c: {  	v7 =	vld.idx.msk [tilespmem:v7+s16+$0x0], $0xffff;
	_ =	sdelay $0x4  }
0x13d: {  	vm15 =	vle.f32 v7, v5;
	v7 =	vadd.s32 $0x2, v6  }
0x13e: {  	v6 =	vsel vm15, v7, v6;
	_ =	sdelay $0x4  }
0x13f: {  	v7 =	vld.idx.msk [tilespmem:v6+s16+$0x0], $0xffff;
	_ =	sdelay $0x4  }
0x140: {  	vm4 =	vle.f32 v7, v5  }
0x141: {  	v5 =	vsel vm4, $0x1, v1  }
0x142: {  	v5 =	vadd.s32 v5, v6  }
0x143: {  	[tilespmem:s28+$0xFFFFFFF0] =	vst v5  }
0x144: {  	v5 =	vld [tilespmem:s30+$0xFFFFFFF0];
	_ =	sdelay $0x1  }
0x145: {  	v6 =	vmov s25  }
0x146: {  	v6 =	vshll.u32 v6, $0x3  }
0x147: {  	v6 =	vor.u32 v2, v6  }
0x148: {  	v5 =	vsub.f32 v5, v3;
	_ =	sdelay $0x1  }
0x149: {  	v5 =	vmul.f32 v5, v4;
	_ =	sdelay $0x1  }
0x14a: {  	[tilespmem:v6+s26+$0x0] =	vst.idx.msk $0xffff, v5  }
0x14b: {  	v5 =	vld [tilespmem:s31+$0x0];
	_ =	sdelay $0x1  }
0x14c: {  	v6 =	vld.idx.msk [tilespmem:v0+s16+$0x0], $0xffff;
	_ =	sdelay $0x2  }
0x14d: {  	v5 =	vcvt.s32.f32 v5;
	_ =	sdelay $0x1  }
0x14e: {  	vm5 =	vle.f32 v6, v5  }
0x14f: {  	v6 =	vsel vm5, $0x400, v1  }
0x150: {  	v7 =	vor.u32 $0x1FF, v6;
	_ =	sdelay $0x4  }
0x151: {  	v7 =	vld.idx.msk [tilespmem:v7+s16+$0x0], $0xffff;
	_ =	sdelay $0x4  }
0x152: {  	vm6 =	vle.f32 v7, v5;
	v7 =	vor.u32 $0x200, v6  }
0x153: {  	v6 =	vsel vm6, v7, v6  }
0x154: {  	v7 =	vor.u32 $0xFF, v6;
	_ =	sdelay $0x4  }
0x155: {  	v7 =	vld.idx.msk [tilespmem:v7+s16+$0x0], $0xffff;
	_ =	sdelay $0x4  }
0x156: {  	vm7 =	vle.f32 v7, v5;
	v7 =	vor.u32 $0x100, v6  }
0x157: {  	v6 =	vsel vm7, v7, v6  }
0x158: {  	v7 =	vor.u32 $0x7F, v6;
	_ =	sdelay $0x4  }
0x159: {  	v7 =	vld.idx.msk [tilespmem:v7+s16+$0x0], $0xffff;
	_ =	sdelay $0x4  }
0x15a: {  	vm8 =	vle.f32 v7, v5;
	v7 =	vor.u32 $0x80, v6  }
0x15b: {  	v6 =	vsel vm8, v7, v6  }
0x15c: {  	v7 =	vadd.s32 $0x3F, v6;
	_ =	sdelay $0x4  }
0x15d: {  	v7 =	vld.idx.msk [tilespmem:v7+s16+$0x0], $0xffff;
	_ =	sdelay $0x4  }
0x15e: {  	vm9 =	vle.f32 v7, v5;
	v7 =	vadd.s32 $0x40, v6  }
0x15f: {  	v6 =	vsel vm9, v7, v6  }
0x160: {  	v7 =	vadd.s32 $0x1F, v6;
	_ =	sdelay $0x4  }
0x161: {  	v7 =	vld.idx.msk [tilespmem:v7+s16+$0x0], $0xffff;
	_ =	sdelay $0x4  }
0x162: {  	vm10 =	vle.f32 v7, v5;
	v7 =	vadd.s32 $0x20, v6  }
0x163: {  	v6 =	vsel vm10, v7, v6  }
0x164: {  	v7 =	vadd.s32 $0xF, v6;
	_ =	sdelay $0x4  }
0x165: {  	v7 =	vld.idx.msk [tilespmem:v7+s16+$0x0], $0xffff;
	_ =	sdelay $0x4  }
0x166: {  	vm11 =	vle.f32 v7, v5;
	v7 =	vadd.s32 $0x10, v6  }
0x167: {  	v6 =	vsel vm11, v7, v6  }
0x168: {  	v7 =	vadd.s32 $0x7, v6;
	_ =	sdelay $0x4  }
0x169: {  	v7 =	vld.idx.msk [tilespmem:v7+s16+$0x0], $0xffff;
	_ =	sdelay $0x4  }
0x16a: {  	vm12 =	vle.f32 v7, v5;
	v7 =	vadd.s32 $0x8, v6  }
0x16b: {  	v6 =	vsel vm12, v7, v6  }
0x16c: {  	v7 =	vadd.s32 $0x3, v6;
	_ =	sdelay $0x4  }
0x16d: {  	v7 =	vld.idx.msk [tilespmem:v7+s16+$0x0], $0xffff;
	_ =	sdelay $0x4  }
0x16e: {  	vm13 =	vle.f32 v7, v5;
	v7 =	vadd.s32 $0x4, v6  }
0x16f: {  	v6 =	vsel vm13, v7, v6  }
0x170: {  	v7 =	vadd.s32 $0x1, v6;
	_ =	sdelay $0x4  }
0x171: {  	v7 =	vld.idx.msk [tilespmem:v7+s16+$0x0], $0xffff;
	_ =	sdelay $0x4  }
0x172: {  	vm14 =	vle.f32 v7, v5;
	v7 =	vadd.s32 $0x2, v6  }
0x173: {  	v6 =	vsel vm14, v7, v6;
	_ =	sdelay $0x4  }
0x174: {  	v7 =	vld.idx.msk [tilespmem:v6+s16+$0x0], $0xffff;
	_ =	sdelay $0x4  }
0x175: {  	vm15 =	vle.f32 v7, v5  }
0x176: {  	v5 =	vsel vm15, $0x1, v1  }
0x177: {  	v5 =	vadd.s32 v5, v6  }
0x178: {  	[tilespmem:s28+$0x0] =	vst v5  }
0x179: {  	v5 =	vld [tilespmem:s30+$0x0]  }
0x17a: {  	s0 =	sadd.s32 $0x10, s25  }
0x17b: {  	v6 =	vmov s0  }
0x17c: {  	s24 =	sadd.s32 $0x2, s24;
	v6 =	vshll.u32 v6, $0x3  }
0x17d: {  	p0 =	slt.u32 s24, $0x16;
	v6 =	vor.u32 v2, v6  }
.Ltmp2:
0x17e: {  	v5 =	vsub.f32 v5, v3;
	(pc) =	sbr.rel @p0 .LBB2_6-.Ltmp2, $4  }
0x17f: {  	_ = 	snop  }
0x180: {  	v5 =	vmul.f32 v5, v4  }
0x181: {  	s25 =	sadd.s32 $0x20, s25  }
0x182: {  	s31 =	sadd.s32 $0x20, s31;
	s28 =	sadd.s32 $0x20, s28;
	s30 =	sadd.s32 $0x20, s30;
	[tilespmem:v6+s26+$0x0] =	vst.idx.msk $0xffff, v5  }
0x183: {  	s0 =	simm.s32 $0x700;
	s24 =	simm.s32 $0x16;
	s25 =	simm.s32 $0x180  }
0x184: {  	s28 =	simm.s32 $0x790;
	s30 =	simm.s32 $0x590;
	s31 =	simm.s32 $0x390  }
0x185: {  	[tilespmem:s3], [sflag:$0x2] =	stream.indirect.gather [hbm4b:s6+s19], $0x20, s0, s19, $0xb8;
	[tilespmem:$0xA020] =	vst v63  }
.LBB2_8:
0x186: {  	v5 =	vld [tilespmem:s31+$0xFFFFFFF0];
	_ =	sdelay $0x1  }
0x187: {  	v6 =	vld.idx.msk [tilespmem:v0+s16+$0x0], $0xffff;
	_ =	sdelay $0x2  }
0x188: {  	v5 =	vcvt.s32.f32 v5;
	_ =	sdelay $0x1  }
0x189: {  	vm0 =	vle.f32 v6, v5  }
0x18a: {  	v6 =	vsel vm0, $0x400, v1  }
0x18b: {  	v7 =	vor.u32 $0x1FF, v6;
	_ =	sdelay $0x4  }
0x18c: {  	v7 =	vld.idx.msk [tilespmem:v7+s16+$0x0], $0xffff;
	_ =	sdelay $0x4  }
0x18d: {  	vm7 =	vle.f32 v7, v5;
	v7 =	vor.u32 $0x200, v6  }
0x18e: {  	v6 =	vsel vm7, v7, v6  }
0x18f: {  	v7 =	vor.u32 $0xFF, v6;
	_ =	sdelay $0x4  }
0x190: {  	v7 =	vld.idx.msk [tilespmem:v7+s16+$0x0], $0xffff;
	_ =	sdelay $0x4  }
0x191: {  	vm8 =	vle.f32 v7, v5;
	v7 =	vor.u32 $0x100, v6  }
0x192: {  	v6 =	vsel vm8, v7, v6  }
0x193: {  	v7 =	vor.u32 $0x7F, v6;
	_ =	sdelay $0x4  }
0x194: {  	v7 =	vld.idx.msk [tilespmem:v7+s16+$0x0], $0xffff;
	_ =	sdelay $0x4  }
0x195: {  	vm9 =	vle.f32 v7, v5;
	v7 =	vor.u32 $0x80, v6  }
0x196: {  	v6 =	vsel vm9, v7, v6  }
0x197: {  	v7 =	vadd.s32 $0x3F, v6;
	_ =	sdelay $0x4  }
0x198: {  	v7 =	vld.idx.msk [tilespmem:v7+s16+$0x0], $0xffff;
	_ =	sdelay $0x4  }
0x199: {  	vm10 =	vle.f32 v7, v5;
	v7 =	vadd.s32 $0x40, v6  }
0x19a: {  	v6 =	vsel vm10, v7, v6  }
0x19b: {  	v7 =	vadd.s32 $0x1F, v6;
	_ =	sdelay $0x4  }
0x19c: {  	v7 =	vld.idx.msk [tilespmem:v7+s16+$0x0], $0xffff;
	_ =	sdelay $0x4  }
0x19d: {  	vm11 =	vle.f32 v7, v5;
	v7 =	vadd.s32 $0x20, v6  }
0x19e: {  	v6 =	vsel vm11, v7, v6  }
0x19f: {  	v7 =	vadd.s32 $0xF, v6;
	_ =	sdelay $0x4  }
0x1a0: {  	v7 =	vld.idx.msk [tilespmem:v7+s16+$0x0], $0xffff;
	_ =	sdelay $0x4  }
0x1a1: {  	vm12 =	vle.f32 v7, v5;
	v7 =	vadd.s32 $0x10, v6  }
0x1a2: {  	v6 =	vsel vm12, v7, v6  }
0x1a3: {  	v7 =	vadd.s32 $0x7, v6;
	_ =	sdelay $0x4  }
0x1a4: {  	v7 =	vld.idx.msk [tilespmem:v7+s16+$0x0], $0xffff;
	_ =	sdelay $0x4  }
0x1a5: {  	vm13 =	vle.f32 v7, v5;
	v7 =	vadd.s32 $0x8, v6  }
0x1a6: {  	v6 =	vsel vm13, v7, v6  }
0x1a7: {  	v7 =	vadd.s32 $0x3, v6;
	_ =	sdelay $0x4  }
0x1a8: {  	v7 =	vld.idx.msk [tilespmem:v7+s16+$0x0], $0xffff;
	_ =	sdelay $0x4  }
0x1a9: {  	vm14 =	vle.f32 v7, v5;
	v7 =	vadd.s32 $0x4, v6  }
0x1aa: {  	v6 =	vsel vm14, v7, v6  }
0x1ab: {  	v7 =	vadd.s32 $0x1, v6;
	_ =	sdelay $0x4  }
0x1ac: {  	v7 =	vld.idx.msk [tilespmem:v7+s16+$0x0], $0xffff;
	_ =	sdelay $0x4  }
0x1ad: {  	vm15 =	vle.f32 v7, v5;
	v7 =	vadd.s32 $0x2, v6  }
0x1ae: {  	v6 =	vsel vm15, v7, v6;
	_ =	sdelay $0x4  }
0x1af: {  	v7 =	vld.idx.msk [tilespmem:v6+s16+$0x0], $0xffff;
	_ =	sdelay $0x4  }
0x1b0: {  	vm4 =	vle.f32 v7, v5  }
0x1b1: {  	v5 =	vsel vm4, $0x1, v1  }
0x1b2: {  	v5 =	vadd.s32 v5, v6  }
0x1b3: {  	[tilespmem:s28+$0xFFFFFFF0] =	vst v5  }
0x1b4: {  	v5 =	vld [tilespmem:s30+$0xFFFFFFF0];
	_ =	sdelay $0x1  }
0x1b5: {  	v6 =	vmov s25  }
0x1b6: {  	v6 =	vshll.u32 v6, $0x3  }
0x1b7: {  	v6 =	vor.u32 v2, v6  }
0x1b8: {  	v5 =	vsub.f32 v5, v3;
	_ =	sdelay $0x1  }
0x1b9: {  	v5 =	vmul.f32 v5, v4;
	_ =	sdelay $0x1  }
0x1ba: {  	[tilespmem:v6+s26+$0x0] =	vst.idx.msk $0xffff, v5  }
0x1bb: {  	v5 =	vld [tilespmem:s31+$0x0];
	_ =	sdelay $0x1  }
0x1bc: {  	v6 =	vld.idx.msk [tilespmem:v0+s16+$0x0], $0xffff;
	_ =	sdelay $0x2  }
0x1bd: {  	v5 =	vcvt.s32.f32 v5;
	_ =	sdelay $0x1  }
0x1be: {  	vm5 =	vle.f32 v6, v5  }
0x1bf: {  	v6 =	vsel vm5, $0x400, v1  }
0x1c0: {  	v7 =	vor.u32 $0x1FF, v6;
	_ =	sdelay $0x4  }
0x1c1: {  	v7 =	vld.idx.msk [tilespmem:v7+s16+$0x0], $0xffff;
	_ =	sdelay $0x4  }
0x1c2: {  	vm6 =	vle.f32 v7, v5;
	v7 =	vor.u32 $0x200, v6  }
0x1c3: {  	v6 =	vsel vm6, v7, v6  }
0x1c4: {  	v7 =	vor.u32 $0xFF, v6;
	_ =	sdelay $0x4  }
0x1c5: {  	v7 =	vld.idx.msk [tilespmem:v7+s16+$0x0], $0xffff;
	_ =	sdelay $0x4  }
0x1c6: {  	vm7 =	vle.f32 v7, v5;
	v7 =	vor.u32 $0x100, v6  }
0x1c7: {  	v6 =	vsel vm7, v7, v6  }
0x1c8: {  	v7 =	vor.u32 $0x7F, v6;
	_ =	sdelay $0x4  }
0x1c9: {  	v7 =	vld.idx.msk [tilespmem:v7+s16+$0x0], $0xffff;
	_ =	sdelay $0x4  }
0x1ca: {  	vm8 =	vle.f32 v7, v5;
	v7 =	vor.u32 $0x80, v6  }
0x1cb: {  	v6 =	vsel vm8, v7, v6  }
0x1cc: {  	v7 =	vadd.s32 $0x3F, v6;
	_ =	sdelay $0x4  }
0x1cd: {  	v7 =	vld.idx.msk [tilespmem:v7+s16+$0x0], $0xffff;
	_ =	sdelay $0x4  }
0x1ce: {  	vm9 =	vle.f32 v7, v5;
	v7 =	vadd.s32 $0x40, v6  }
0x1cf: {  	v6 =	vsel vm9, v7, v6  }
0x1d0: {  	v7 =	vadd.s32 $0x1F, v6;
	_ =	sdelay $0x4  }
0x1d1: {  	v7 =	vld.idx.msk [tilespmem:v7+s16+$0x0], $0xffff;
	_ =	sdelay $0x4  }
0x1d2: {  	vm10 =	vle.f32 v7, v5;
	v7 =	vadd.s32 $0x20, v6  }
0x1d3: {  	v6 =	vsel vm10, v7, v6  }
0x1d4: {  	v7 =	vadd.s32 $0xF, v6;
	_ =	sdelay $0x4  }
0x1d5: {  	v7 =	vld.idx.msk [tilespmem:v7+s16+$0x0], $0xffff;
	_ =	sdelay $0x4  }
0x1d6: {  	vm11 =	vle.f32 v7, v5;
	v7 =	vadd.s32 $0x10, v6  }
0x1d7: {  	v6 =	vsel vm11, v7, v6  }
0x1d8: {  	v7 =	vadd.s32 $0x7, v6;
	_ =	sdelay $0x4  }
0x1d9: {  	v7 =	vld.idx.msk [tilespmem:v7+s16+$0x0], $0xffff;
	_ =	sdelay $0x4  }
0x1da: {  	vm12 =	vle.f32 v7, v5;
	v7 =	vadd.s32 $0x8, v6  }
0x1db: {  	v6 =	vsel vm12, v7, v6  }
0x1dc: {  	v7 =	vadd.s32 $0x3, v6;
	_ =	sdelay $0x4  }
0x1dd: {  	v7 =	vld.idx.msk [tilespmem:v7+s16+$0x0], $0xffff;
	_ =	sdelay $0x4  }
0x1de: {  	vm13 =	vle.f32 v7, v5;
	v7 =	vadd.s32 $0x4, v6  }
0x1df: {  	v6 =	vsel vm13, v7, v6  }
0x1e0: {  	v7 =	vadd.s32 $0x1, v6;
	_ =	sdelay $0x4  }
0x1e1: {  	v7 =	vld.idx.msk [tilespmem:v7+s16+$0x0], $0xffff;
	_ =	sdelay $0x4  }
0x1e2: {  	vm14 =	vle.f32 v7, v5;
	v7 =	vadd.s32 $0x2, v6  }
0x1e3: {  	v6 =	vsel vm14, v7, v6;
	_ =	sdelay $0x4  }
0x1e4: {  	v7 =	vld.idx.msk [tilespmem:v6+s16+$0x0], $0xffff;
	_ =	sdelay $0x4  }
0x1e5: {  	vm15 =	vle.f32 v7, v5  }
0x1e6: {  	v5 =	vsel vm15, $0x1, v1  }
0x1e7: {  	v5 =	vadd.s32 v5, v6  }
0x1e8: {  	[tilespmem:s28+$0x0] =	vst v5  }
0x1e9: {  	v5 =	vld [tilespmem:s30+$0x0]  }
0x1ea: {  	s0 =	sadd.s32 $0x10, s25  }
0x1eb: {  	v6 =	vmov s0  }
0x1ec: {  	s24 =	sadd.s32 $0x2, s24;
	v6 =	vshll.u32 v6, $0x3  }
0x1ed: {  	p0 =	slt.u32 s24, $0x1E;
	v6 =	vor.u32 v2, v6  }
.Ltmp3:
0x1ee: {  	v5 =	vsub.f32 v5, v3;
	(pc) =	sbr.rel @p0 .LBB2_8-.Ltmp3, $4  }
0x1ef: {  	_ = 	snop  }
0x1f0: {  	v5 =	vmul.f32 v5, v4  }
0x1f1: {  	s25 =	sadd.s32 $0x20, s25  }
0x1f2: {  	s31 =	sadd.s32 $0x20, s31;
	s28 =	sadd.s32 $0x20, s28;
	s30 =	sadd.s32 $0x20, s30;
	[tilespmem:v6+s26+$0x0] =	vst.idx.msk $0xffff, v5  }
0x1f3: {  	[tilespmem:s2], [sflag:$0x2] =	stream.indirect.gather [hbm4b:s6+s19], $0x20, s1, s19, $0xb8;
	[tilespmem:$0xA020] =	vst v63  }
0x1f4: {  	_ = 	snop  }
0x1f5: {  	[hbm4b:s11+s14] =	stream.strided.scatter [tilespmem:s26], [sflag:$0x3], $0x1000, s15, s14, $0x38;
	[tilespmem:$0xA020] =	vst v63  }
0x1f6: {  	_ =	swait.ge [sflag:s17], $0x1000  }
0x1f7: {  	[sflag:s17] =	ssyncset.done $0x0  }
0x1f8: {  	[sflag:s17] =	ssyncadd.s32 $0xFFFFF000  }
0x1f9: {  	_ =	swait.ge [sflag:s17], $0x1000  }
0x1fa: {  	[sflag:s17] =	ssyncset.done $0x0  }
0x1fb: {  	[sflag:s17] =	ssyncadd.s32 $0xFFFFF000  }
0x1fc: {  	_ =	swait.ge [sflag:s17], $0x1000  }
0x1fd: {  	[sflag:s17] =	ssyncset.done $0x0  }
0x1fe: {  	[sflag:s17] =	ssyncadd.s32 $0xFFFFF000  }
0x1ff: {  	_ =	swait.ge [sflag:s17], $0x1000  }
0x200: {  	[sflag:s17] =	ssyncset.done $0x0  }
0x201: {  	[sflag:s17] =	ssyncadd.s32 $0xFFFFF000  }
0x202: {  	[hbm4b:s10+s21] =	stream.strided.scatter [tilespmem:s20], [sflag:$0x3], $0x4000, s15, s21, $0x38;
	[tilespmem:$0xA020] =	vst v63  }
0x203: {  	_ =	swait.ge [sflag:s17], $0x1000  }
0x204: {  	[sflag:s17] =	ssyncset.done $0x0  }
0x205: {  	[sflag:s17] =	ssyncadd.s32 $0xFFFFF000  }
0x206: {  	_ =	swait.ge [sflag:s17], $0x1000  }
0x207: {  	[sflag:s17] =	ssyncset.done $0x0  }
0x208: {  	[sflag:s17] =	ssyncadd.s32 $0xFFFFF000  }
0x209: {  	_ =	swait.ge [sflag:s17], $0x1000  }
0x20a: {  	[sflag:s17] =	ssyncset.done $0x0  }
0x20b: {  	[sflag:s17] =	ssyncadd.s32 $0xFFFFF000  }
0x20c: {  	_ =	swait.ge [sflag:s17], $0x1000  }
0x20d: {  	[sflag:s17] =	ssyncset.done $0x0  }
0x20e: {  	[sflag:s17] =	ssyncadd.s32 $0xFFFFF000  }
0x20f: {  	[hbm4b:s12+s21] =	stream.strided.scatter [tilespmem:s29], [sflag:$0x3], $0x4000, s15, s21, $0x38;
	[tilespmem:$0xA020] =	vst v63  }
0x210: {  	_ =	swait.ge [sflag:s22], $0x1000  }
0x211: {  	[sflag:s22] =	ssyncset.done $0x0  }
0x212: {  	s23 =	sadd.s32 $0x1, s23;
	[sflag:s22] =	ssyncadd.s32 $0xFFFFF000  }
0x213: {  	p0 =	sne.s32 s23, s13;
	_ =	swait.ge [sflag:s22], $0x4000  }
.Ltmp4:
0x214: {  	[sflag:s22] =	ssyncset.done $0x0;
	(pc) =	sbr.rel @p0 .LBB2_1-.Ltmp4, $4  }
0x215: {  	[sflag:s22] =	ssyncadd.s32 $0xFFFFC000  }
0x216: {  	_ =	swait.ge [sflag:s22], $0x4000  }
0x217: {  	[sflag:s22] =	ssyncset.done $0x0  }
0x218: {  	[sflag:s22] =	ssyncadd.s32 $0xFFFFC000  }
0x219: {  	_ =	sfence.sel $0x180000  }
0x21a: {  	[bflag:$0x0] =	sbarrier.arrive $0xFFFF  }
0x21b: {  	_ =	strace $0x90000047  }
0x21c: {  	s0 =	stileid.u32;
	[bflag:$0x2] =	sbarrier.arrive $0xFFFF  }
0x21d: {  	p0 =	sne.s32 s0, $0x0;
	s0 =	rddreg [dreg:$0x7]  }
0x21e: {  	s0 =	sadd.s32 @!p0 $0x100000, s0  }
0x21f: {  	[sflag:s0] =	ssyncadd.tile.s32 @!p0 $0x1;
	_ =	shalt  }
.Lfunc_end2:
_tile_overlayer_lowered:
.L_overlay_start_2:
0x220: {  	(tag) =	ssettag $0x2  }
0x221: {  	s0 =	rddreg [dreg:$0x0];
	s2 =	stileid.u32  }
0x222: {  	s1 =	rddreg [dreg:$0x1];
	p0 =	sne.s32 s2, $0x0  }
0x223: {  	s3 =	rddreg [dreg:$0x2];
	[bflag:$0x3] =	sbarrier.arrive $0xFFFF;
	s2 =	simm.s32 @!p0 $0x1C04  }
0x224: {  	[timem:s3], [sflag:s2] =	dma.local @!p0 [hbm:s0], s1  }
0x225: {  	s0 =	simm.s32 @!p0 $0x4  }
0x226: {  	_ =	swait.ge @!p0 [sflag:s0], s1  }
0x227: {  	s1 =	ssub.s32 @!p0 $0x0, s1;
	[sflag:s0] =	ssyncset.done @!p0 $0x0  }
0x228: {  	[sflag:s0] =	ssyncadd.s32 @!p0 s1  }
0x229: {  	[bflag:$0x3] =	sbarrier.arrive $0xFFFF  }
0x22a: {  	_ =	shalt  }

</sc_bundles>
